<compile_context>
chip_gen: v7x
topology: tpu7x:2x2x1
jax: 0.10.2.dev20260603
libtpu: 0.0.44.dev20260713+nightly
codegen_flags: <defaults>
</compile_context>

<pallas_src>
import functools

import jax
import jax.numpy as jnp
from jax import lax
from jax.experimental import pallas as pl
from jax.experimental.pallas import tpu as pltpu
from jax.experimental.pallas import tpu_sc as plsc

B = 1024
K = 1000
V = 2048
VSUB = 600
NKP = 16
NBB = 8

NC = 2
NS = 16
NW = NC * NS
QPW = B // NW
L = 16

DV = V * 3
DS = VSUB * 3
DSM = 144

_EPS = 1e-6


def _coeff_body(ang_ref, go_ref, tr_ref, out_ref):
    a = ang_ref[:, 0:1]
    ca = jnp.cos(0.5 * a)
    sa = jnp.sin(0.5 * a)
    w2 = ca
    z2 = -sa

    g = go_ref[...]
    gx = g[:, 0:1]
    gy = g[:, 1:2]
    gz = g[:, 2:3]
    n2 = gx * gx + gy * gy + gz * gz
    n = jnp.sqrt(n2)
    w1 = jnp.cos(0.5 * n)
    safe = jnp.where(n < _EPS, jnp.ones_like(n), n)
    s = jnp.where(n < _EPS, 0.5 - n2 / 48.0, jnp.sin(0.5 * n) / safe)
    x1 = gx * s
    y1 = gy * s
    z1 = gz * s

    wt = w1 * w2 - z1 * z2
    xt = x1 * w2 + y1 * z2
    yt = y1 * w2 - x1 * z2
    zt = w1 * z2 + z1 * w2

    def rot(w, x, y, z):
        two = jnp.float32(2.0)
        one = jnp.float32(1.0)
        return [
            one - two * (y * y + z * z), two * (x * y - w * z), two * (x * z + w * y),
            two * (x * y + w * z), one - two * (x * x + z * z), two * (y * z - w * x),
            two * (x * z - w * y), two * (y * z + w * x), one - two * (x * x + y * y),
        ]

    t = tr_ref[...]
    cols = rot(wt, xt, yt, zt) + rot(w1, x1, y1, z1) + [t[:, 0:1], t[:, 1:2], t[:, 2:3]]
    out_ref[...] = jnp.concatenate(
        cols + [jnp.zeros((B, 11), jnp.float32)], axis=1)


def _make_coeffs(angles, global_orient, transl):
    return pl.pallas_call(
        _coeff_body,
        out_shape=jax.ShapeDtypeStruct((B, 32), jnp.float32),
    )(angles, global_orient, transl)


CQ = 8
NCHUNK = QPW // CQ


OFF_PS = DS
OFF_SM = DS + VSUB
OFF_DIA = DS + VSUB + DSM
DC = 2560


def _sc_body(v_hbm, p_hbm, c_hbm, co_hbm, qi_hbm,
             ov_hbm, os_hbm, ob_hbm, ok_hbm, od_hbm,
             qi_v, co_v, dov,
             vin, pin, cin,
             vout, svout, bbout, kpout,
             sem, sem_v, sem_s, sem_b, sem_k):
    wid = lax.axis_index("s") * NC + lax.axis_index("c")
    base = wid * QPW

    iota = lax.iota(jnp.int32, L)
    iota3 = iota * 3
    zero16 = jnp.zeros((L,), jnp.int32)
    lane0 = zero16
    lane1 = zero16 + 1
    lane2 = zero16 + 2

    pltpu.sync_copy(qi_hbm.at[pl.ds(base, QPW)], qi_v)
    pltpu.sync_copy(co_hbm.at[pl.ds(base, QPW)], co_v)

    def splat(val):
        return zero16 + val

    def per_chunk(c, carry0):
        idx8 = qi_v.at[pl.ds(c * CQ, CQ)]
        cv = pltpu.async_copy(v_hbm.at[idx8], vin, sem)
        cp = pltpu.async_copy(p_hbm.at[idx8], pin, sem)
        cc8 = pltpu.async_copy(c_hbm.at[idx8], cin, sem)
        cv.wait()
        cp.wait()
        cc8.wait()

        def per_query(q, carry):
            i = c * CQ + q
            b = base + i
            sq = splat(q)
            par = jnp.bitwise_and(i, 1)
            spar = splat(par)
            vo = vout.at[pl.ds(par, 1)]
            so = svout.at[pl.ds(par, 1)]
            bo_ = bbout.at[pl.ds(par, 1)]
            ko = kpout.at[pl.ds(par, 1)]

            @pl.when(i >= 2)
            def _drain():
                pltpu.make_async_copy(vo, ov_hbm.at[pl.ds(b - 2, 1)], sem_v).wait()
                pltpu.make_async_copy(so, os_hbm.at[pl.ds(b - 2, 1)], sem_s).wait()
                pltpu.make_async_copy(bo_, ob_hbm.at[pl.ds(b - 2, 1)], sem_b).wait()
                pltpu.make_async_copy(ko, ok_hbm.at[pl.ds(b - 2, 1)], sem_k).wait()

            si = splat(i)
            cc = [plsc.load_gather(co_v, [si, splat(k)]) for k in range(21)]
            mt = cc[0:9]
            mb = cc[9:18]
            tx, ty, tz = cc[18], cc[19], cc[20]

            def apply16(x, y, z, sel):
                me = [jnp.where(sel, a, b) for (a, b) in zip(mt, mb)]
                ox = me[0] * x + me[1] * y + me[2] * z + tx
                oy = me[3] * x + me[4] * y + me[5] * z + ty
                oz = me[6] * x + me[7] * y + me[8] * z + tz
                return ox, oy, oz

            def vstep(j, _):
                vidx = iota + j * L
                bx = iota3 + j * (3 * L)
                x = plsc.load_gather(vin, [sq, bx])
                y = plsc.load_gather(vin, [sq, bx + 1])
                z = plsc.load_gather(vin, [sq, bx + 2])
                pv = plsc.load_gather(pin, [sq, vidx])
                ox, oy, oz = apply16(x, y, z, pv == 1)
                plsc.store_scatter(vout, [spar, bx], ox)
                plsc.store_scatter(vout, [spar, bx + 1], oy)
                plsc.store_scatter(vout, [spar, bx + 2], oz)
                return 0

            lax.fori_loop(0, V // L, vstep, 0, unroll=False)

            def sstep(j, _):
                vidx = iota + j * L
                bx = iota3 + j * (3 * L)
                x = plsc.load_gather(cin, [sq, bx])
                y = plsc.load_gather(cin, [sq, bx + 1])
                z = plsc.load_gather(cin, [sq, bx + 2])
                pvf = plsc.load_gather(cin, [sq, vidx + OFF_PS])
                pv = plsc.bitcast(pvf, jnp.int32)
                ox, oy, oz = apply16(x, y, z, pv == 1)
                plsc.store_scatter(svout, [spar, bx], ox)
                plsc.store_scatter(svout, [spar, bx + 1], oy)
                plsc.store_scatter(svout, [spar, bx + 2], oz)
                return 0

            nfull = VSUB // L
            lax.fori_loop(0, nfull, sstep, 0, unroll=False)

            ntail = VSUB - nfull * L
            mtail = iota < ntail
            bx = iota3 + nfull * (3 * L)
            bxc = jnp.minimum(bx, DS - 3)
            x = plsc.load_gather(cin, [sq, bxc], mask=mtail)
            y = plsc.load_gather(cin, [sq, bxc + 1], mask=mtail)
            z = plsc.load_gather(cin, [sq, bxc + 2], mask=mtail)
            pvc = jnp.minimum(iota + nfull * L, VSUB - 1) + OFF_PS
            pvf = plsc.load_gather(cin, [sq, pvc], mask=mtail)
            pv = plsc.bitcast(pvf, jnp.int32)
            ox, oy, oz = apply16(x, y, z, pv == 1)
            plsc.store_scatter(svout, [spar, bxc], ox, mask=mtail)
            plsc.store_scatter(svout, [spar, bxc + 1], oy, mask=mtail)
            plsc.store_scatter(svout, [spar, bxc + 2], oz, mask=mtail)

            for (src0, dref, dst0, sel) in (
                    (0, bbout, 0, iota < NBB),
                    (48, kpout, 0, iota >= 0),
                    (96, kpout, 48, iota < 0),
            ):
                bx = iota3 + (OFF_SM + src0)
                x = plsc.load_gather(cin, [sq, bx])
                y = plsc.load_gather(cin, [sq, bx + 1])
                z = plsc.load_gather(cin, [sq, bx + 2])
                ox, oy, oz = apply16(x, y, z, sel)
                bo = iota3 + dst0
                plsc.store_scatter(dref, [spar, bo], ox)
                plsc.store_scatter(dref, [spar, bo + 1], oy)
                plsc.store_scatter(dref, [spar, bo + 2], oz)

            dvec = plsc.load_gather(cin, [sq, splat(OFF_DIA)])
            plsc.store_scatter(dov, [splat(i)], dvec, mask=iota < 1)

            pltpu.async_copy(vo, ov_hbm.at[pl.ds(b, 1)], sem_v)
            pltpu.async_copy(so, os_hbm.at[pl.ds(b, 1)], sem_s)
            pltpu.async_copy(bo_, ob_hbm.at[pl.ds(b, 1)], sem_b)
            pltpu.async_copy(ko, ok_hbm.at[pl.ds(b, 1)], sem_k)
            return 0

        lax.fori_loop(0, CQ, per_query, 0, unroll=False)
        return 0

    lax.fori_loop(0, NCHUNK, per_chunk, 0, unroll=False)

    for par in (0, 1):
        b2 = base + QPW - 2 + par
        pltpu.make_async_copy(
            vout.at[pl.ds(par, 1)], ov_hbm.at[pl.ds(b2, 1)], sem_v).wait()
        pltpu.make_async_copy(
            svout.at[pl.ds(par, 1)], os_hbm.at[pl.ds(b2, 1)], sem_s).wait()
        pltpu.make_async_copy(
            bbout.at[pl.ds(par, 1)], ob_hbm.at[pl.ds(b2, 1)], sem_b).wait()
        pltpu.make_async_copy(
            kpout.at[pl.ds(par, 1)], ok_hbm.at[pl.ds(b2, 1)], sem_k).wait()

    pltpu.sync_copy(dov, od_hbm.at[pl.ds(base, QPW)])


def _sc_call(v2, p2, comb, coeffs, qidx):
    mesh = plsc.VectorSubcoreMesh(
        core_axis_name="c", subcore_axis_name="s", num_cores=NC,
        num_subcores=NS)
    f = pl.kernel(
        _sc_body,
        out_type=(
            jax.ShapeDtypeStruct((B, DV), jnp.float32),
            jax.ShapeDtypeStruct((B, DS), jnp.float32),
            jax.ShapeDtypeStruct((B, 48), jnp.float32),
            jax.ShapeDtypeStruct((B, 96), jnp.float32),
            jax.ShapeDtypeStruct((B,), jnp.float32),
        ),
        mesh=mesh,
        compiler_params=pltpu.CompilerParams(needs_layout_passes=False, use_tc_tiling_on_sc=True),
        scratch_types=[
            pltpu.VMEM((QPW,), jnp.int32),
            pltpu.VMEM((QPW, 32), jnp.float32),
            pltpu.VMEM((QPW,), jnp.float32),
            pltpu.VMEM((CQ, DV), jnp.float32),
            pltpu.VMEM((CQ, V), jnp.int32),
            pltpu.VMEM((CQ, DC), jnp.float32),
            pltpu.VMEM((2, DV), jnp.float32),
            pltpu.VMEM((2, DS), jnp.float32),
            pltpu.VMEM((2, 48), jnp.float32),
            pltpu.VMEM((2, 96), jnp.float32),
            pltpu.SemaphoreType.DMA,
            pltpu.SemaphoreType.DMA,
            pltpu.SemaphoreType.DMA,
            pltpu.SemaphoreType.DMA,
            pltpu.SemaphoreType.DMA,
        ],
    )
    return f(v2, p2, comb, coeffs, qidx)


def kernel(angles, global_orient, transl, query_idx, v_table, v_sub_table,
           bbox_top_table, bbox_bottom_table, kp_top_table, kp_bottom_table,
           diameter_table, parts_table, parts_sub_table):
    coeffs = _make_coeffs(angles, global_orient, transl)

    qidx = query_idx.astype(jnp.int32)
    v2 = v_table.reshape(K, DV)
    p2 = parts_table.astype(jnp.int32)
    ps_bits = jax.lax.bitcast_convert_type(
        parts_sub_table.astype(jnp.int32), jnp.float32)
    comb = jnp.concatenate([
        v_sub_table.reshape(K, DS),
        ps_bits,
        bbox_top_table.reshape(K, NBB * 3),
        bbox_bottom_table.reshape(K, NBB * 3),
        kp_top_table.reshape(K, NKP * 3),
        kp_bottom_table.reshape(K, NKP * 3),
        diameter_table[:, None],
        jnp.zeros((K, DC - DS - VSUB - DSM - 1), jnp.float32),
    ], axis=1)

    ov, os_, ob, ok, od = _sc_call(v2, p2, comb, coeffs, qidx)

    return (
        ov.reshape(B, V, 3),
        os_.reshape(B, VSUB, 3),
        ob.reshape(B, 2 * NBB, 3),
        ok.reshape(B, 2 * NKP, 3),
        od,
    )

# --- scband reference (transcript-rebuilt; emitter-appended) ---
"""Pipeline reference for scband-object-tensors-12670153523216 (READ-ONLY COPY).

The authoritative reference and input builder live on the scoring server;
editing this copy changes nothing except your own understanding.
"""

import jax, jax.numpy as jnp
import numpy as np

B = 1024
K = 1000
V = 2048
VSUB = 600
NKP = 16
NBB = 8

def axis_angle_to_quaternion(aa):
    angles = jnp.linalg.norm(aa, axis=-1, keepdims=True)
    half = angles * 0.5
    eps = 1e-6
    safe = jnp.where(angles < eps, jnp.ones_like(angles), angles)
    sin_half_over_angle = jnp.where(angles < eps, 0.5 - (angles * angles) / 48.0, jnp.sin(half) / safe)
    return jnp.concatenate([jnp.cos(half), aa * sin_half_over_angle], axis=-1)

def quat_raw_multiply(a, b):
    aw, ax, ay, az = a[..., 0], a[..., 1], a[..., 2], a[..., 3]
    bw, bx, by, bz = b[..., 0], b[..., 1], b[..., 2], b[..., 3]
    ow = aw * bw - ax * bx - ay * by - az * bz
    ox = aw * bx + ax * bw + ay * bz - az * by
    oy = aw * by - ax * bz + ay * bw + az * bx
    oz = aw * bz + ax * by - ay * bx + az * bw
    return jnp.stack([ow, ox, oy, oz], axis=-1)

def quaternion_apply(q, point):
    real = jnp.zeros(point.shape[:-1] + (1,), dtype=point.dtype)
    p = jnp.concatenate([real, point], axis=-1)
    qinv = q * jnp.array([1.0, -1.0, -1.0, -1.0], dtype=q.dtype)
    out = quat_raw_multiply(quat_raw_multiply(q, p), qinv)
    return out[..., 1:]

def setup_inputs(seed: int = 0):
    key = jax.random.key(seed)
    ks = jax.random.split(key, 14)
    inp = {}
    inp['angles'] = jax.random.normal(ks[0], (B, 1), dtype=jnp.float32)
    inp['global_orient'] = jax.random.normal(ks[1], (B, 3), dtype=jnp.float32)
    inp['transl'] = jax.random.normal(ks[2], (B, 3), dtype=jnp.float32) * 0.1
    inp['query_idx'] = jax.random.randint(ks[3], (B,), 0, K)
    inp['v_table'] = jax.random.normal(ks[4], (K, V, 3), dtype=jnp.float32) * 0.05
    inp['v_sub_table'] = jax.random.normal(ks[5], (K, VSUB, 3), dtype=jnp.float32) * 0.05
    inp['bbox_top_table'] = jax.random.normal(ks[6], (K, NBB, 3), dtype=jnp.float32) * 0.05
    inp['bbox_bottom_table'] = jax.random.normal(ks[7], (K, NBB, 3), dtype=jnp.float32) * 0.05
    inp['kp_top_table'] = jax.random.normal(ks[8], (K, NKP, 3), dtype=jnp.float32) * 0.05
    inp['kp_bottom_table'] = jax.random.normal(ks[9], (K, NKP, 3), dtype=jnp.float32) * 0.05
    inp['diameter_table'] = jax.random.uniform(ks[10], (K,), dtype=jnp.float32, minval=0.05, maxval=0.5)
    inp['parts_table'] = jax.random.randint(ks[11], (K, V), 1, 3)
    inp['parts_sub_table'] = jax.random.randint(ks[12], (K, VSUB), 1, 3)
    return inp

def reference(angles, global_orient, transl, query_idx, v_table, v_sub_table, bbox_top_table, bbox_bottom_table, kp_top_table, kp_bottom_table, diameter_table, parts_table, parts_sub_table):
    obj_idx = query_idx
    diameter = jnp.take(diameter_table, obj_idx, axis=0)
    v = jnp.take(v_table, obj_idx, axis=0)
    v_sub = jnp.take(v_sub_table, obj_idx, axis=0)
    parts_ids = jnp.take(parts_table, obj_idx, axis=0)
    parts_sub_ids = jnp.take(parts_sub_table, obj_idx, axis=0)
    bbox_top = jnp.take(bbox_top_table, obj_idx, axis=0)
    bbox_bottom = jnp.take(bbox_bottom_table, obj_idx, axis=0)
    kp_top = jnp.take(kp_top_table, obj_idx, axis=0)
    kp_bottom = jnp.take(kp_bottom_table, obj_idx, axis=0)
    z_axis = jnp.array([[0.0, 0.0, -1.0]], dtype=jnp.float32)
    quat_arti = axis_angle_to_quaternion(z_axis * angles)
    quat_global = axis_angle_to_quaternion(global_orient.reshape(-1, 3))
    # articulation rotation applied to 'top' geometry only
    v_top = quaternion_apply(quat_arti[:, None, :], v)
    v_sub_top = quaternion_apply(quat_arti[:, None, :], v_sub)
    bbox_top_r = quaternion_apply(quat_arti[:, None, :], bbox_top)
    kp_top_r = quaternion_apply(quat_arti[:, None, :], kp_top)
    v_bottom = v
    v_sub_bottom = v_sub
    bbox_bottom_r = bbox_bottom
    kp_bottom_r = kp_bottom
    # global rotation + translation applied to everything
    def g(x):
        return quaternion_apply(quat_global[:, None, :], x) + transl[:, None, :]
    v_top = g(v_top)
    v_bottom = g(v_bottom)
    v_sub_top = g(v_sub_top)
    v_sub_bottom = g(v_sub_bottom)
    bbox_top_r = g(bbox_top_r)
    bbox_bottom_r = g(bbox_bottom_r)
    kp_top_r = g(kp_top_r)
    kp_bottom_r = g(kp_bottom_r)
    v_tensor = jnp.where((parts_ids == 1)[..., None], v_top, v_bottom)
    v_sub_tensor = jnp.where((parts_sub_ids == 1)[..., None], v_sub_top, v_sub_bottom)
    bbox = jnp.concatenate([bbox_top_r, bbox_bottom_r], axis=1)
    kp3d = jnp.concatenate([kp_top_r, kp_bottom_r], axis=1)
    return (v_tensor, v_sub_tensor, bbox, kp3d, diameter)

if __name__ == "__main__":
    import jax
    _d = setup_inputs()
    print(jax.jit(kernel)(*tuple(_d.values())))

</pallas_src>

<mosaic_0001>
#map = affine_map<(d0, d1) -> (0, 0)>
#map1 = affine_map<(d0, d1) -> (0)>
module attributes {stable_mosaic.version = 14 : i64} {
  func.func @_sc_body(%arg0: i32, %arg1: i32, %arg2: memref<1000x6144xf32, #tpu.memory_space<hbm>>, %arg3: memref<1000x2048xi32, #tpu.memory_space<hbm>>, %arg4: memref<1000x2560xf32, #tpu.memory_space<hbm>>, %arg5: memref<1024x32xf32, #tpu.memory_space<hbm>>, %arg6: memref<1024xi32, #tpu.memory_space<hbm>>, %arg7: memref<1024x6144xf32, #tpu.memory_space<hbm>>, %arg8: memref<1024x1800xf32, #tpu.memory_space<hbm>>, %arg9: memref<1024x48xf32, #tpu.memory_space<hbm>>, %arg10: memref<1024x96xf32, #tpu.memory_space<hbm>>, %arg11: memref<1024xf32, #tpu.memory_space<hbm>>, %arg12: memref<32xi32, #tpu.memory_space<vmem>>, %arg13: memref<32x32xf32, #tpu.memory_space<vmem>>, %arg14: memref<32xf32, #tpu.memory_space<vmem>>, %arg15: memref<8x6144xf32, #tpu.memory_space<vmem>>, %arg16: memref<8x2048xi32, #tpu.memory_space<vmem>>, %arg17: memref<8x2560xf32, #tpu.memory_space<vmem>>, %arg18: memref<2x6144xf32, #tpu.memory_space<vmem>>, %arg19: memref<2x1800xf32, #tpu.memory_space<vmem>>, %arg20: memref<2x48xf32, #tpu.memory_space<vmem>>, %arg21: memref<2x96xf32, #tpu.memory_space<vmem>>, %arg22: memref<!tpu.dma_semaphore, #tpu.memory_space<semaphore_mem>>, %arg23: memref<!tpu.dma_semaphore, #tpu.memory_space<semaphore_mem>>, %arg24: memref<!tpu.dma_semaphore, #tpu.memory_space<semaphore_mem>>, %arg25: memref<!tpu.dma_semaphore, #tpu.memory_space<semaphore_mem>>, %arg26: memref<!tpu.dma_semaphore, #tpu.memory_space<semaphore_mem>>) attributes {dimension_semantics = [#tpu.dimension_semantics<core_parallel>, #tpu.dimension_semantics<subcore_parallel>], iteration_bounds = array<i64: 2, 16>, scalar_prefetch = 0 : i64, scratch_operands = 15 : i64, tpu.core_type = #tpu.core_type<sc_vector_subcore>, window_params = [{transform_indices = #map}, {transform_indices = #map}, {transform_indices = #map}, {transform_indices = #map}, {transform_indices = #map1}, {transform_indices = #map}, {transform_indices = #map}, {transform_indices = #map}, {transform_indices = #map}, {transform_indices = #map1}]} {
    %mul3A = arith.constant 2 : i32
    %mul3A_0 = arith.muli %arg1, %mul3A : i32
    %add3A = arith.addi %mul3A_0, %arg0 : i32
    %mul3A_1 = arith.constant 32 : i32
    %mul3A_2 = arith.muli %add3A, %mul3A_1 : i32
    %iota3A = tpu.iota {dimensions = array<i32: 0>} : vector<16xi32>
    %mul3A_3 = arith.constant 3 : i32
    %mul3A_4 = vector.broadcast %mul3A_3 : i32 to vector<16xi32>
    %mul3A_5 = arith.muli %iota3A, %mul3A_4 : vector<16xi32>
    %broadcast_in_dim3A = arith.constant 0 : i32
    %broadcast_in_dim3A_6 = vector.broadcast %broadcast_in_dim3A : i32 to vector<16xi32>
    %add3A_7 = arith.constant 1 : i32
    %add3A_8 = vector.broadcast %add3A_7 : i32 to vector<16xi32>
    %add3A_9 = arith.addi %broadcast_in_dim3A_6, %add3A_8 : vector<16xi32>
    %add3A_10 = arith.constant 2 : i32
    %add3A_11 = vector.broadcast %add3A_10 : i32 to vector<16xi32>
    %add3A_12 = arith.addi %broadcast_in_dim3A_6, %add3A_11 : vector<16xi32>
    "tpu.region"() ({
      %run_scoped3A = tpu.sem_alloc : memref<!tpu.dma_semaphore, #tpu.memory_space<semaphore_mem>>
      %dma_start3A = tpu.memref_slice %arg6[%mul3A_2] : memref<1024xi32, #tpu.memory_space<hbm>> -> memref<32xi32, #tpu.memory_space<hbm>>
      %dma_start3A_109 = tpu.memref_slice %arg6[%mul3A_2] : memref<1024xi32, #tpu.memory_space<hbm>> -> memref<32xi32, #tpu.memory_space<hbm>>
      tpu.enqueue_dma source(%dma_start3A_109 : memref<32xi32, #tpu.memory_space<hbm>>) target(%arg12 : memref<32xi32, #tpu.memory_space<vmem>>) target_semaphore(%run_scoped3A : memref<!tpu.dma_semaphore, #tpu.memory_space<semaphore_mem>>)
      %dma_wait3A_110 = tpu.memref_slice %arg6[%mul3A_2] : memref<1024xi32, #tpu.memory_space<hbm>> -> memref<32xi32, #tpu.memory_space<hbm>>
      %dma_wait3A_111 = tpu.memref_slice %arg6[%mul3A_2] : memref<1024xi32, #tpu.memory_space<hbm>> -> memref<32xi32, #tpu.memory_space<hbm>>
      tpu.wait_dma2 semaphore(%run_scoped3A : memref<!tpu.dma_semaphore, #tpu.memory_space<semaphore_mem>>) src(%dma_wait3A_111 : memref<32xi32, #tpu.memory_space<hbm>>) dst(%arg12 : memref<32xi32, #tpu.memory_space<vmem>>)
      tpu.yield
    }) : () -> ()
    "tpu.region"() ({
      %run_scoped3A = tpu.sem_alloc : memref<!tpu.dma_semaphore, #tpu.memory_space<semaphore_mem>>
      %dma_start3A = arith.constant 0 : i32
      %dma_start3A_109 = tpu.memref_slice %arg5[%mul3A_2, %dma_start3A] : memref<1024x32xf32, #tpu.memory_space<hbm>> -> memref<32x32xf32, #tpu.memory_space<hbm>>
      %dma_start3A_110 = arith.constant 0 : i32
      %dma_start3A_111 = tpu.memref_slice %arg5[%mul3A_2, %dma_start3A_110] : memref<1024x32xf32, #tpu.memory_space<hbm>> -> memref<32x32xf32, #tpu.memory_space<hbm>>
      tpu.enqueue_dma source(%dma_start3A_111 : memref<32x32xf32, #tpu.memory_space<hbm>>) target(%arg13 : memref<32x32xf32, #tpu.memory_space<vmem>>) target_semaphore(%run_scoped3A : memref<!tpu.dma_semaphore, #tpu.memory_space<semaphore_mem>>)
      %dma_wait3A_112 = arith.constant 0 : i32
      %dma_wait3A_113 = tpu.memref_slice %arg5[%mul3A_2, %dma_wait3A_112] : memref<1024x32xf32, #tpu.memory_space<hbm>> -> memref<32x32xf32, #tpu.memory_space<hbm>>
      %dma_wait3A_114 = arith.constant 0 : i32
      %dma_wait3A_115 = tpu.memref_slice %arg5[%mul3A_2, %dma_wait3A_114] : memref<1024x32xf32, #tpu.memory_space<hbm>> -> memref<32x32xf32, #tpu.memory_space<hbm>>
      tpu.wait_dma2 semaphore(%run_scoped3A : memref<!tpu.dma_semaphore, #tpu.memory_space<semaphore_mem>>) src(%dma_wait3A_115 : memref<32x32xf32, #tpu.memory_space<hbm>>) dst(%arg13 : memref<32x32xf32, #tpu.memory_space<vmem>>)
      tpu.yield
    }) : () -> ()
    %scan3A = arith.constant 0 : i32
    %scan3A_13 = arith.constant 0 : i32
    %scan3A_14 = arith.constant 4 : i32
    %scan3A_15 = arith.addi %scan3A_13, %scan3A_14 : i32
    %scan3A_16 = arith.constant 1 : i32
    %scan3A_17 = scf.for %scan3A_109 = %scan3A_13 to %scan3A_15 step %scan3A_16 iter_args(%scan3A_110 = %scan3A) -> (i32)  : i32 {
      %mul3A_111 = arith.constant 8 : i32
      %mul3A_112 = arith.muli %scan3A_109, %mul3A_111 : i32
      %dma_start3A = tpu.memref_slice %arg12[%mul3A_112] : memref<32xi32, #tpu.memory_space<vmem>> -> memref<8xi32, #tpu.memory_space<vmem>>
      %dma_start3A_113 = arith.constant 0 : i32
      %dma_start3A_114 = arith.constant 0 : i32
      %dma_start3A_115 = tpu.memref_slice %arg2[%dma_start3A_113, %dma_start3A_114] : memref<1000x6144xf32, #tpu.memory_space<hbm>> -> memref<1000x6144xf32, #tpu.memory_space<hbm>>
      tpu.enqueue_indirect_dma source(%dma_start3A_115 : memref<1000x6144xf32, #tpu.memory_space<hbm>>) target(%arg15 : memref<8x6144xf32, #tpu.memory_space<vmem>>) offsets(%dma_start3A : memref<8xi32, #tpu.memory_space<vmem>>) semaphore(%arg22 : memref<!tpu.dma_semaphore, #tpu.memory_space<semaphore_mem>>)
      %dma_start3A_116 = tpu.memref_slice %arg12[%mul3A_112] : memref<32xi32, #tpu.memory_space<vmem>> -> memref<8xi32, #tpu.memory_space<vmem>>
      %dma_start3A_117 = arith.constant 0 : i32
      %dma_start3A_118 = arith.constant 0 : i32
      %dma_start3A_119 = tpu.memref_slice %arg3[%dma_start3A_117, %dma_start3A_118] : memref<1000x2048xi32, #tpu.memory_space<hbm>> -> memref<1000x2048xi32, #tpu.memory_space<hbm>>
      tpu.enqueue_indirect_dma source(%dma_start3A_119 : memref<1000x2048xi32, #tpu.memory_space<hbm>>) target(%arg16 : memref<8x2048xi32, #tpu.memory_space<vmem>>) offsets(%dma_start3A_116 : memref<8xi32, #tpu.memory_space<vmem>>) semaphore(%arg22 : memref<!tpu.dma_semaphore, #tpu.memory_space<semaphore_mem>>)
      %dma_start3A_120 = tpu.memref_slice %arg12[%mul3A_112] : memref<32xi32, #tpu.memory_space<vmem>> -> memref<8xi32, #tpu.memory_space<vmem>>
      %dma_start3A_121 = arith.constant 0 : i32
      %dma_start3A_122 = arith.constant 0 : i32
      %dma_start3A_123 = tpu.memref_slice %arg4[%dma_start3A_121, %dma_start3A_122] : memref<1000x2560xf32, #tpu.memory_space<hbm>> -> memref<1000x2560xf32, #tpu.memory_space<hbm>>
      tpu.enqueue_indirect_dma source(%dma_start3A_123 : memref<1000x2560xf32, #tpu.memory_space<hbm>>) target(%arg17 : memref<8x2560xf32, #tpu.memory_space<vmem>>) offsets(%dma_start3A_120 : memref<8xi32, #tpu.memory_space<vmem>>) semaphore(%arg22 : memref<!tpu.dma_semaphore, #tpu.memory_space<semaphore_mem>>)
      %dma_wait3A_124 = tpu.memref_slice %arg12[%mul3A_112] : memref<32xi32, #tpu.memory_space<vmem>> -> memref<8xi32, #tpu.memory_space<vmem>>
      %dma_wait3A_125 = arith.constant 0 : i32
      %dma_wait3A_126 = arith.constant 0 : i32
      %dma_wait3A_127 = tpu.memref_slice %arg2[%dma_wait3A_125, %dma_wait3A_126] : memref<1000x6144xf32, #tpu.memory_space<hbm>> -> memref<1000x6144xf32, #tpu.memory_space<hbm>>
      tpu.wait_indirect_dma semaphore(%arg22 : memref<!tpu.dma_semaphore, #tpu.memory_space<semaphore_mem>>) src(%dma_wait3A_127 : memref<1000x6144xf32, #tpu.memory_space<hbm>>) dst(%arg15 : memref<8x6144xf32, #tpu.memory_space<vmem>>)
      %dma_wait3A_128 = tpu.memref_slice %arg12[%mul3A_112] : memref<32xi32, #tpu.memory_space<vmem>> -> memref<8xi32, #tpu.memory_space<vmem>>
      %dma_wait3A_129 = arith.constant 0 : i32
      %dma_wait3A_130 = arith.constant 0 : i32
      %dma_wait3A_131 = tpu.memref_slice %arg3[%dma_wait3A_129, %dma_wait3A_130] : memref<1000x2048xi32, #tpu.memory_space<hbm>> -> memref<1000x2048xi32, #tpu.memory_space<hbm>>
      tpu.wait_indirect_dma semaphore(%arg22 : memref<!tpu.dma_semaphore, #tpu.memory_space<semaphore_mem>>) src(%dma_wait3A_131 : memref<1000x2048xi32, #tpu.memory_space<hbm>>) dst(%arg16 : memref<8x2048xi32, #tpu.memory_space<vmem>>)
      %dma_wait3A_132 = tpu.memref_slice %arg12[%mul3A_112] : memref<32xi32, #tpu.memory_space<vmem>> -> memref<8xi32, #tpu.memory_space<vmem>>
      %dma_wait3A_133 = arith.constant 0 : i32
      %dma_wait3A_134 = arith.constant 0 : i32
      %dma_wait3A_135 = tpu.memref_slice %arg4[%dma_wait3A_133, %dma_wait3A_134] : memref<1000x2560xf32, #tpu.memory_space<hbm>> -> memref<1000x2560xf32, #tpu.memory_space<hbm>>
      tpu.wait_indirect_dma semaphore(%arg22 : memref<!tpu.dma_semaphore, #tpu.memory_space<semaphore_mem>>) src(%dma_wait3A_135 : memref<1000x2560xf32, #tpu.memory_space<hbm>>) dst(%arg17 : memref<8x2560xf32, #tpu.memory_space<vmem>>)
      %scan3A_136 = arith.constant 0 : i32
      %scan3A_137 = arith.constant 0 : i32
      %scan3A_138 = arith.constant 8 : i32
      %scan3A_139 = arith.addi %scan3A_137, %scan3A_138 : i32
      %scan3A_140 = arith.constant 1 : i32
      %scan3A_141 = scf.for %scan3A_144 = %scan3A_137 to %scan3A_139 step %scan3A_140 iter_args(%scan3A_145 = %scan3A_136) -> (i32)  : i32 {
        %mul3A_146 = arith.constant 8 : i32
        %mul3A_147 = arith.muli %scan3A_109, %mul3A_146 : i32
        %add3A_148 = arith.addi %mul3A_147, %scan3A_144 : i32
        %add3A_149 = arith.addi %mul3A_2, %add3A_148 : i32
        %add3A_150 = vector.broadcast %scan3A_144 : i32 to vector<16xi32>
        %add3A_151 = arith.addi %broadcast_in_dim3A_6, %add3A_150 : vector<16xi32>
        %and3A = arith.constant 1 : i32
        %and3A_152 = arith.andi %add3A_148, %and3A : i32
        %add3A_153 = vector.broadcast %and3A_152 : i32 to vector<16xi32>
        %add3A_154 = arith.addi %broadcast_in_dim3A_6, %add3A_153 : vector<16xi32>
        %ge3A = arith.constant 2 : i32
        %ge3A_155 = arith.cmpi sge, %add3A_148, %ge3A : i32
        %convert_element_type3A = arith.extui %ge3A_155 : i1 to i32
        %cond3A = arith.constant 0 : i32
        %cond3A_156 = arith.cmpi ne, %convert_element_type3A, %cond3A : i32
        scf.if %cond3A_156 {
          %sub3A_511 = arith.constant 2 : i32
          %sub3A_512 = arith.subi %add3A_149, %sub3A_511 : i32
          %dma_wait3A_513 = arith.constant 0 : i32
          %dma_wait3A_514 = tpu.memref_slice %arg18[%and3A_152, %dma_wait3A_513] : memref<2x6144xf32, #tpu.memory_space<vmem>> -> memref<1x6144xf32, #tpu.memory_space<vmem>>
          %dma_wait3A_515 = arith.constant 0 : i32
          %dma_wait3A_516 = tpu.memref_slice %arg7[%sub3A_512, %dma_wait3A_515] : memref<1024x6144xf32, #tpu.memory_space<hbm>> -> memref<1x6144xf32, #tpu.memory_space<hbm>>
          %dma_wait3A_517 = arith.constant 0 : i32
          %dma_wait3A_518 = tpu.memref_slice %arg7[%sub3A_512, %dma_wait3A_517] : memref<1024x6144xf32, #tpu.memory_space<hbm>> -> memref<1x6144xf32, #tpu.memory_space<hbm>>
          %dma_wait3A_519 = arith.constant 0 : i32
          %dma_wait3A_520 = tpu.memref_slice %arg18[%and3A_152, %dma_wait3A_519] : memref<2x6144xf32, #tpu.memory_space<vmem>> -> memref<1x6144xf32, #tpu.memory_space<vmem>>
          tpu.wait_dma2 semaphore(%arg23 : memref<!tpu.dma_semaphore, #tpu.memory_space<semaphore_mem>>) src(%dma_wait3A_520 : memref<1x6144xf32, #tpu.memory_space<vmem>>) dst(%dma_wait3A_518 : memref<1x6144xf32, #tpu.memory_space<hbm>>)
          %sub3A_521 = arith.constant 2 : i32
          %sub3A_522 = arith.subi %add3A_149, %sub3A_521 : i32
          %dma_wait3A_523 = arith.constant 0 : i32
          %dma_wait3A_524 = tpu.memref_slice %arg19[%and3A_152, %dma_wait3A_523] : memref<2x1800xf32, #tpu.memory_space<vmem>> -> memref<1x1800xf32, #tpu.memory_space<vmem>>
          %dma_wait3A_525 = arith.constant 0 : i32
          %dma_wait3A_526 = tpu.memref_slice %arg8[%sub3A_522, %dma_wait3A_525] : memref<1024x1800xf32, #tpu.memory_space<hbm>> -> memref<1x1800xf32, #tpu.memory_space<hbm>>
          %dma_wait3A_527 = arith.constant 0 : i32
          %dma_wait3A_528 = tpu.memref_slice %arg8[%sub3A_522, %dma_wait3A_527] : memref<1024x1800xf32, #tpu.memory_space<hbm>> -> memref<1x1800xf32, #tpu.memory_space<hbm>>
          %dma_wait3A_529 = arith.constant 0 : i32
          %dma_wait3A_530 = tpu.memref_slice %arg19[%and3A_152, %dma_wait3A_529] : memref<2x1800xf32, #tpu.memory_space<vmem>> -> memref<1x1800xf32, #tpu.memory_space<vmem>>
          tpu.wait_dma2 semaphore(%arg24 : memref<!tpu.dma_semaphore, #tpu.memory_space<semaphore_mem>>) src(%dma_wait3A_530 : memref<1x1800xf32, #tpu.memory_space<vmem>>) dst(%dma_wait3A_528 : memref<1x1800xf32, #tpu.memory_space<hbm>>)
          %sub3A_531 = arith.constant 2 : i32
          %sub3A_532 = arith.subi %add3A_149, %sub3A_531 : i32
          %dma_wait3A_533 = arith.constant 0 : i32
          %dma_wait3A_534 = tpu.memref_slice %arg20[%and3A_152, %dma_wait3A_533] : memref<2x48xf32, #tpu.memory_space<vmem>> -> memref<1x48xf32, #tpu.memory_space<vmem>>
          %dma_wait3A_535 = arith.constant 0 : i32
          %dma_wait3A_536 = tpu.memref_slice %arg9[%sub3A_532, %dma_wait3A_535] : memref<1024x48xf32, #tpu.memory_space<hbm>> -> memref<1x48xf32, #tpu.memory_space<hbm>>
          %dma_wait3A_537 = arith.constant 0 : i32
          %dma_wait3A_538 = tpu.memref_slice %arg9[%sub3A_532, %dma_wait3A_537] : memref<1024x48xf32, #tpu.memory_space<hbm>> -> memref<1x48xf32, #tpu.memory_space<hbm>>
          %dma_wait3A_539 = arith.constant 0 : i32
          %dma_wait3A_540 = tpu.memref_slice %arg20[%and3A_152, %dma_wait3A_539] : memref<2x48xf32, #tpu.memory_space<vmem>> -> memref<1x48xf32, #tpu.memory_space<vmem>>
          tpu.wait_dma2 semaphore(%arg25 : memref<!tpu.dma_semaphore, #tpu.memory_space<semaphore_mem>>) src(%dma_wait3A_540 : memref<1x48xf32, #tpu.memory_space<vmem>>) dst(%dma_wait3A_538 : memref<1x48xf32, #tpu.memory_space<hbm>>)
          %sub3A_541 = arith.constant 2 : i32
          %sub3A_542 = arith.subi %add3A_149, %sub3A_541 : i32
          %dma_wait3A_543 = arith.constant 0 : i32
          %dma_wait3A_544 = tpu.memref_slice %arg21[%and3A_152, %dma_wait3A_543] : memref<2x96xf32, #tpu.memory_space<vmem>> -> memref<1x96xf32, #tpu.memory_space<vmem>>
          %dma_wait3A_545 = arith.constant 0 : i32
          %dma_wait3A_546 = tpu.memref_slice %arg10[%sub3A_542, %dma_wait3A_545] : memref<1024x96xf32, #tpu.memory_space<hbm>> -> memref<1x96xf32, #tpu.memory_space<hbm>>
          %dma_wait3A_547 = arith.constant 0 : i32
          %dma_wait3A_548 = tpu.memref_slice %arg10[%sub3A_542, %dma_wait3A_547] : memref<1024x96xf32, #tpu.memory_space<hbm>> -> memref<1x96xf32, #tpu.memory_space<hbm>>
          %dma_wait3A_549 = arith.constant 0 : i32
          %dma_wait3A_550 = tpu.memref_slice %arg21[%and3A_152, %dma_wait3A_549] : memref<2x96xf32, #tpu.memory_space<vmem>> -> memref<1x96xf32, #tpu.memory_space<vmem>>
          tpu.wait_dma2 semaphore(%arg26 : memref<!tpu.dma_semaphore, #tpu.memory_space<semaphore_mem>>) src(%dma_wait3A_550 : memref<1x96xf32, #tpu.memory_space<vmem>>) dst(%dma_wait3A_548 : memref<1x96xf32, #tpu.memory_space<hbm>>)
        } else {
        }
        %add3A_157 = vector.broadcast %add3A_148 : i32 to vector<16xi32>
        %add3A_158 = arith.addi %broadcast_in_dim3A_6, %add3A_157 : vector<16xi32>
        %add3A_159 = arith.constant 0 : i32
        %add3A_160 = vector.broadcast %add3A_159 : i32 to vector<16xi32>
        %add3A_161 = arith.addi %broadcast_in_dim3A_6, %add3A_160 : vector<16xi32>
        %gather3A = tpu.vector_load_idx %arg13[%add3A_158, %add3A_161] : memref<32x32xf32, #tpu.memory_space<vmem>>[vector<16xi32>, vector<16xi32>], vector<16xf32>,
        %add3A_162 = arith.constant 1 : i32
        %add3A_163 = vector.broadcast %add3A_162 : i32 to vector<16xi32>
        %add3A_164 = arith.addi %broadcast_in_dim3A_6, %add3A_163 : vector<16xi32>
        %gather3A_165 = tpu.vector_load_idx %arg13[%add3A_158, %add3A_164] : memref<32x32xf32, #tpu.memory_space<vmem>>[vector<16xi32>, vector<16xi32>], vector<16xf32>,
        %add3A_166 = arith.constant 2 : i32
        %add3A_167 = vector.broadcast %add3A_166 : i32 to vector<16xi32>
        %add3A_168 = arith.addi %broadcast_in_dim3A_6, %add3A_167 : vector<16xi32>
        %gather3A_169 = tpu.vector_load_idx %arg13[%add3A_158, %add3A_168] : memref<32x32xf32, #tpu.memory_space<vmem>>[vector<16xi32>, vector<16xi32>], vector<16xf32>,
        %add3A_170 = arith.constant 3 : i32
        %add3A_171 = vector.broadcast %add3A_170 : i32 to vector<16xi32>
        %add3A_172 = arith.addi %broadcast_in_dim3A_6, %add3A_171 : vector<16xi32>
        %gather3A_173 = tpu.vector_load_idx %arg13[%add3A_158, %add3A_172] : memref<32x32xf32, #tpu.memory_space<vmem>>[vector<16xi32>, vector<16xi32>], vector<16xf32>,
        %add3A_174 = arith.constant 4 : i32
        %add3A_175 = vector.broadcast %add3A_174 : i32 to vector<16xi32>
        %add3A_176 = arith.addi %broadcast_in_dim3A_6, %add3A_175 : vector<16xi32>
        %gather3A_177 = tpu.vector_load_idx %arg13[%add3A_158, %add3A_176] : memref<32x32xf32, #tpu.memory_space<vmem>>[vector<16xi32>, vector<16xi32>], vector<16xf32>,
        %add3A_178 = arith.constant 5 : i32
        %add3A_179 = vector.broadcast %add3A_178 : i32 to vector<16xi32>
        %add3A_180 = arith.addi %broadcast_in_dim3A_6, %add3A_179 : vector<16xi32>
        %gather3A_181 = tpu.vector_load_idx %arg13[%add3A_158, %add3A_180] : memref<32x32xf32, #tpu.memory_space<vmem>>[vector<16xi32>, vector<16xi32>], vector<16xf32>,
        %add3A_182 = arith.constant 6 : i32
        %add3A_183 = vector.broadcast %add3A_182 : i32 to vector<16xi32>
        %add3A_184 = arith.addi %broadcast_in_dim3A_6, %add3A_183 : vector<16xi32>
        %gather3A_185 = tpu.vector_load_idx %arg13[%add3A_158, %add3A_184] : memref<32x32xf32, #tpu.memory_space<vmem>>[vector<16xi32>, vector<16xi32>], vector<16xf32>,
        %add3A_186 = arith.constant 7 : i32
        %add3A_187 = vector.broadcast %add3A_186 : i32 to vector<16xi32>
        %add3A_188 = arith.addi %broadcast_in_dim3A_6, %add3A_187 : vector<16xi32>
        %gather3A_189 = tpu.vector_load_idx %arg13[%add3A_158, %add3A_188] : memref<32x32xf32, #tpu.memory_space<vmem>>[vector<16xi32>, vector<16xi32>], vector<16xf32>,
        %add3A_190 = arith.constant 8 : i32
        %add3A_191 = vector.broadcast %add3A_190 : i32 to vector<16xi32>
        %add3A_192 = arith.addi %broadcast_in_dim3A_6, %add3A_191 : vector<16xi32>
        %gather3A_193 = tpu.vector_load_idx %arg13[%add3A_158, %add3A_192] : memref<32x32xf32, #tpu.memory_space<vmem>>[vector<16xi32>, vector<16xi32>], vector<16xf32>,
        %add3A_194 = arith.constant 9 : i32
        %add3A_195 = vector.broadcast %add3A_194 : i32 to vector<16xi32>
        %add3A_196 = arith.addi %broadcast_in_dim3A_6, %add3A_195 : vector<16xi32>
        %gather3A_197 = tpu.vector_load_idx %arg13[%add3A_158, %add3A_196] : memref<32x32xf32, #tpu.memory_space<vmem>>[vector<16xi32>, vector<16xi32>], vector<16xf32>,
        %add3A_198 = arith.constant 10 : i32
        %add3A_199 = vector.broadcast %add3A_198 : i32 to vector<16xi32>
        %add3A_200 = arith.addi %broadcast_in_dim3A_6, %add3A_199 : vector<16xi32>
        %gather3A_201 = tpu.vector_load_idx %arg13[%add3A_158, %add3A_200] : memref<32x32xf32, #tpu.memory_space<vmem>>[vector<16xi32>, vector<16xi32>], vector<16xf32>,
        %add3A_202 = arith.constant 11 : i32
        %add3A_203 = vector.broadcast %add3A_202 : i32 to vector<16xi32>
        %add3A_204 = arith.addi %broadcast_in_dim3A_6, %add3A_203 : vector<16xi32>
        %gather3A_205 = tpu.vector_load_idx %arg13[%add3A_158, %add3A_204] : memref<32x32xf32, #tpu.memory_space<vmem>>[vector<16xi32>, vector<16xi32>], vector<16xf32>,
        %add3A_206 = arith.constant 12 : i32
        %add3A_207 = vector.broadcast %add3A_206 : i32 to vector<16xi32>
        %add3A_208 = arith.addi %broadcast_in_dim3A_6, %add3A_207 : vector<16xi32>
        %gather3A_209 = tpu.vector_load_idx %arg13[%add3A_158, %add3A_208] : memref<32x32xf32, #tpu.memory_space<vmem>>[vector<16xi32>, vector<16xi32>], vector<16xf32>,
        %add3A_210 = arith.constant 13 : i32
        %add3A_211 = vector.broadcast %add3A_210 : i32 to vector<16xi32>
        %add3A_212 = arith.addi %broadcast_in_dim3A_6, %add3A_211 : vector<16xi32>
        %gather3A_213 = tpu.vector_load_idx %arg13[%add3A_158, %add3A_212] : memref<32x32xf32, #tpu.memory_space<vmem>>[vector<16xi32>, vector<16xi32>], vector<16xf32>,
        %add3A_214 = arith.constant 14 : i32
        %add3A_215 = vector.broadcast %add3A_214 : i32 to vector<16xi32>
        %add3A_216 = arith.addi %broadcast_in_dim3A_6, %add3A_215 : vector<16xi32>
        %gather3A_217 = tpu.vector_load_idx %arg13[%add3A_158, %add3A_216] : memref<32x32xf32, #tpu.memory_space<vmem>>[vector<16xi32>, vector<16xi32>], vector<16xf32>,
        %add3A_218 = arith.constant 15 : i32
        %add3A_219 = vector.broadcast %add3A_218 : i32 to vector<16xi32>
        %add3A_220 = arith.addi %broadcast_in_dim3A_6, %add3A_219 : vector<16xi32>
        %gather3A_221 = tpu.vector_load_idx %arg13[%add3A_158, %add3A_220] : memref<32x32xf32, #tpu.memory_space<vmem>>[vector<16xi32>, vector<16xi32>], vector<16xf32>,
        %add3A_222 = arith.constant 16 : i32
        %add3A_223 = vector.broadcast %add3A_222 : i32 to vector<16xi32>
        %add3A_224 = arith.addi %broadcast_in_dim3A_6, %add3A_223 : vector<16xi32>
        %gather3A_225 = tpu.vector_load_idx %arg13[%add3A_158, %add3A_224] : memref<32x32xf32, #tpu.memory_space<vmem>>[vector<16xi32>, vector<16xi32>], vector<16xf32>,
        %add3A_226 = arith.constant 17 : i32
        %add3A_227 = vector.broadcast %add3A_226 : i32 to vector<16xi32>
        %add3A_228 = arith.addi %broadcast_in_dim3A_6, %add3A_227 : vector<16xi32>
        %gather3A_229 = tpu.vector_load_idx %arg13[%add3A_158, %add3A_228] : memref<32x32xf32, #tpu.memory_space<vmem>>[vector<16xi32>, vector<16xi32>], vector<16xf32>,
        %add3A_230 = arith.constant 18 : i32
        %add3A_231 = vector.broadcast %add3A_230 : i32 to vector<16xi32>
        %add3A_232 = arith.addi %broadcast_in_dim3A_6, %add3A_231 : vector<16xi32>
        %gather3A_233 = tpu.vector_load_idx %arg13[%add3A_158, %add3A_232] : memref<32x32xf32, #tpu.memory_space<vmem>>[vector<16xi32>, vector<16xi32>], vector<16xf32>,
        %add3A_234 = arith.constant 19 : i32
        %add3A_235 = vector.broadcast %add3A_234 : i32 to vector<16xi32>
        %add3A_236 = arith.addi %broadcast_in_dim3A_6, %add3A_235 : vector<16xi32>
        %gather3A_237 = tpu.vector_load_idx %arg13[%add3A_158, %add3A_236] : memref<32x32xf32, #tpu.memory_space<vmem>>[vector<16xi32>, vector<16xi32>], vector<16xf32>,
        %add3A_238 = arith.constant 20 : i32
        %add3A_239 = vector.broadcast %add3A_238 : i32 to vector<16xi32>
        %add3A_240 = arith.addi %broadcast_in_dim3A_6, %add3A_239 : vector<16xi32>
        %gather3A_241 = tpu.vector_load_idx %arg13[%add3A_158, %add3A_240] : memref<32x32xf32, #tpu.memory_space<vmem>>[vector<16xi32>, vector<16xi32>], vector<16xf32>,
        %scan3A_242 = arith.constant 0 : i32
        %scan3A_243 = arith.constant 0 : i32
        %scan3A_244 = arith.constant 128 : i32
        %scan3A_245 = arith.addi %scan3A_243, %scan3A_244 : i32
        %scan3A_246 = arith.constant 1 : i32
        %scan3A_247 = scf.for %scan3A_511 = %scan3A_243 to %scan3A_245 step %scan3A_246 iter_args(%scan3A_512 = %scan3A_242) -> (i32)  : i32 {
          %mul3A_513 = arith.constant 16 : i32
          %mul3A_514 = arith.muli %scan3A_511, %mul3A_513 : i32
          %add3A_515 = vector.broadcast %mul3A_514 : i32 to vector<16xi32>
          %add3A_516 = arith.addi %iota3A, %add3A_515 : vector<16xi32>
          %mul3A_517 = arith.constant 48 : i32
          %mul3A_518 = arith.muli %scan3A_511, %mul3A_517 : i32
          %add3A_519 = vector.broadcast %mul3A_518 : i32 to vector<16xi32>
          %add3A_520 = arith.addi %mul3A_5, %add3A_519 : vector<16xi32>
          %gather3A_521 = tpu.vector_load_idx %arg15[%add3A_151, %add3A_520] : memref<8x6144xf32, #tpu.memory_space<vmem>>[vector<16xi32>, vector<16xi32>], vector<16xf32>,
          %add3A_522 = arith.constant 1 : i32
          %add3A_523 = vector.broadcast %add3A_522 : i32 to vector<16xi32>
          %add3A_524 = arith.addi %add3A_520, %add3A_523 : vector<16xi32>
          %gather3A_525 = tpu.vector_load_idx %arg15[%add3A_151, %add3A_524] : memref<8x6144xf32, #tpu.memory_space<vmem>>[vector<16xi32>, vector<16xi32>], vector<16xf32>,
          %add3A_526 = arith.constant 2 : i32
          %add3A_527 = vector.broadcast %add3A_526 : i32 to vector<16xi32>
          %add3A_528 = arith.addi %add3A_520, %add3A_527 : vector<16xi32>
          %gather3A_529 = tpu.vector_load_idx %arg15[%add3A_151, %add3A_528] : memref<8x6144xf32, #tpu.memory_space<vmem>>[vector<16xi32>, vector<16xi32>], vector<16xf32>,
          %gather3A_530 = tpu.vector_load_idx %arg16[%add3A_151, %add3A_516] : memref<8x2048xi32, #tpu.memory_space<vmem>>[vector<16xi32>, vector<16xi32>], vector<16xi32>,
          %eq3A_531 = arith.constant 1 : i32
          %eq3A_532 = vector.broadcast %eq3A_531 : i32 to vector<16xi32>
          %eq3A_533 = arith.cmpi eq, %gather3A_530, %eq3A_532 : vector<16xi32>
          %select_n3A_534 = arith.select %eq3A_533, %gather3A, %gather3A_197 : vector<16xi1>, vector<16xf32>
          %select_n3A_535 = arith.select %eq3A_533, %gather3A_165, %gather3A_201 : vector<16xi1>, vector<16xf32>
          %select_n3A_536 = arith.select %eq3A_533, %gather3A_169, %gather3A_205 : vector<16xi1>, vector<16xf32>
          %select_n3A_537 = arith.select %eq3A_533, %gather3A_173, %gather3A_209 : vector<16xi1>, vector<16xf32>
          %select_n3A_538 = arith.select %eq3A_533, %gather3A_177, %gather3A_213 : vector<16xi1>, vector<16xf32>
          %select_n3A_539 = arith.select %eq3A_533, %gather3A_181, %gather3A_217 : vector<16xi1>, vector<16xf32>
          %select_n3A_540 = arith.select %eq3A_533, %gather3A_185, %gather3A_221 : vector<16xi1>, vector<16xf32>
          %select_n3A_541 = arith.select %eq3A_533, %gather3A_189, %gather3A_225 : vector<16xi1>, vector<16xf32>
          %select_n3A_542 = arith.select %eq3A_533, %gather3A_193, %gather3A_229 : vector<16xi1>, vector<16xf32>
          %mul3A_543 = arith.mulf %select_n3A_534, %gather3A_521 : vector<16xf32>
          %mul3A_544 = arith.mulf %select_n3A_535, %gather3A_525 : vector<16xf32>
          %add3A_545 = arith.addf %mul3A_543, %mul3A_544 : vector<16xf32>
          %mul3A_546 = arith.mulf %select_n3A_536, %gather3A_529 : vector<16xf32>
          %add3A_547 = arith.addf %add3A_545, %mul3A_546 : vector<16xf32>
          %add3A_548 = arith.addf %add3A_547, %gather3A_233 : vector<16xf32>
          %mul3A_549 = arith.mulf %select_n3A_537, %gather3A_521 : vector<16xf32>
          %mul3A_550 = arith.mulf %select_n3A_538, %gather3A_525 : vector<16xf32>
          %add3A_551 = arith.addf %mul3A_549, %mul3A_550 : vector<16xf32>
          %mul3A_552 = arith.mulf %select_n3A_539, %gather3A_529 : vector<16xf32>
          %add3A_553 = arith.addf %add3A_551, %mul3A_552 : vector<16xf32>
          %add3A_554 = arith.addf %add3A_553, %gather3A_237 : vector<16xf32>
          %mul3A_555 = arith.mulf %select_n3A_540, %gather3A_521 : vector<16xf32>
          %mul3A_556 = arith.mulf %select_n3A_541, %gather3A_525 : vector<16xf32>
          %add3A_557 = arith.addf %mul3A_555, %mul3A_556 : vector<16xf32>
          %mul3A_558 = arith.mulf %select_n3A_542, %gather3A_529 : vector<16xf32>
          %add3A_559 = arith.addf %add3A_557, %mul3A_558 : vector<16xf32>
          %add3A_560 = arith.addf %add3A_559, %gather3A_241 : vector<16xf32>
          tpu.vector_store_idx %arg18[%add3A_154, %add3A_520], %add3A_548 : memref<2x6144xf32, #tpu.memory_space<vmem>>[vector<16xi32>, vector<16xi32>], vector<16xf32>,
          %add3A_561 = arith.constant 1 : i32
          %add3A_562 = vector.broadcast %add3A_561 : i32 to vector<16xi32>
          %add3A_563 = arith.addi %add3A_520, %add3A_562 : vector<16xi32>
          tpu.vector_store_idx %arg18[%add3A_154, %add3A_563], %add3A_554 : memref<2x6144xf32, #tpu.memory_space<vmem>>[vector<16xi32>, vector<16xi32>], vector<16xf32>,
          %add3A_564 = arith.constant 2 : i32
          %add3A_565 = vector.broadcast %add3A_564 : i32 to vector<16xi32>
          %add3A_566 = arith.addi %add3A_520, %add3A_565 : vector<16xi32>
          tpu.vector_store_idx %arg18[%add3A_154, %add3A_566], %add3A_560 : memref<2x6144xf32, #tpu.memory_space<vmem>>[vector<16xi32>, vector<16xi32>], vector<16xf32>,
          %scan3A_567 = arith.constant 0 : i32
          scf.yield %scan3A_567 : i32
        }
        %scan3A_248 = arith.constant 128 : i32
        %scan3A_249 = arith.constant 0 : i32
        %scan3A_250 = arith.constant 0 : i32
        %scan3A_251 = arith.constant 37 : i32
        %scan3A_252 = arith.addi %scan3A_250, %scan3A_251 : i32
        %scan3A_253 = arith.constant 1 : i32
        %scan3A_254 = scf.for %scan3A_511 = %scan3A_250 to %scan3A_252 step %scan3A_253 iter_args(%scan3A_512 = %scan3A_249) -> (i32)  : i32 {
          %mul3A_513 = arith.constant 16 : i32
          %mul3A_514 = arith.muli %scan3A_511, %mul3A_513 : i32
          %add3A_515 = vector.broadcast %mul3A_514 : i32 to vector<16xi32>
          %add3A_516 = arith.addi %iota3A, %add3A_515 : vector<16xi32>
          %mul3A_517 = arith.constant 48 : i32
          %mul3A_518 = arith.muli %scan3A_511, %mul3A_517 : i32
          %add3A_519 = vector.broadcast %mul3A_518 : i32 to vector<16xi32>
          %add3A_520 = arith.addi %mul3A_5, %add3A_519 : vector<16xi32>
          %gather3A_521 = tpu.vector_load_idx %arg17[%add3A_151, %add3A_520] : memref<8x2560xf32, #tpu.memory_space<vmem>>[vector<16xi32>, vector<16xi32>], vector<16xf32>,
          %add3A_522 = arith.constant 1 : i32
          %add3A_523 = vector.broadcast %add3A_522 : i32 to vector<16xi32>
          %add3A_524 = arith.addi %add3A_520, %add3A_523 : vector<16xi32>
          %gather3A_525 = tpu.vector_load_idx %arg17[%add3A_151, %add3A_524] : memref<8x2560xf32, #tpu.memory_space<vmem>>[vector<16xi32>, vector<16xi32>], vector<16xf32>,
          %add3A_526 = arith.constant 2 : i32
          %add3A_527 = vector.broadcast %add3A_526 : i32 to vector<16xi32>
          %add3A_528 = arith.addi %add3A_520, %add3A_527 : vector<16xi32>
          %gather3A_529 = tpu.vector_load_idx %arg17[%add3A_151, %add3A_528] : memref<8x2560xf32, #tpu.memory_space<vmem>>[vector<16xi32>, vector<16xi32>], vector<16xf32>,
          %add3A_530 = arith.constant 1800 : i32
          %add3A_531 = vector.broadcast %add3A_530 : i32 to vector<16xi32>
          %add3A_532 = arith.addi %add3A_516, %add3A_531 : vector<16xi32>
          %gather3A_533 = tpu.vector_load_idx %arg17[%add3A_151, %add3A_532] : memref<8x2560xf32, #tpu.memory_space<vmem>>[vector<16xi32>, vector<16xi32>], vector<16xf32>,
          %bitcast3A_534 = vector.bitcast %gather3A_533 : vector<16xf32> to vector<16xi32>
          %eq3A_535 = arith.constant 1 : i32
          %eq3A_536 = vector.broadcast %eq3A_535 : i32 to vector<16xi32>
          %eq3A_537 = arith.cmpi eq, %bitcast3A_534, %eq3A_536 : vector<16xi32>
          %select_n3A_538 = arith.select %eq3A_537, %gather3A, %gather3A_197 : vector<16xi1>, vector<16xf32>
          %select_n3A_539 = arith.select %eq3A_537, %gather3A_165, %gather3A_201 : vector<16xi1>, vector<16xf32>
          %select_n3A_540 = arith.select %eq3A_537, %gather3A_169, %gather3A_205 : vector<16xi1>, vector<16xf32>
          %select_n3A_541 = arith.select %eq3A_537, %gather3A_173, %gather3A_209 : vector<16xi1>, vector<16xf32>
          %select_n3A_542 = arith.select %eq3A_537, %gather3A_177, %gather3A_213 : vector<16xi1>, vector<16xf32>
          %select_n3A_543 = arith.select %eq3A_537, %gather3A_181, %gather3A_217 : vector<16xi1>, vector<16xf32>
          %select_n3A_544 = arith.select %eq3A_537, %gather3A_185, %gather3A_221 : vector<16xi1>, vector<16xf32>
          %select_n3A_545 = arith.select %eq3A_537, %gather3A_189, %gather3A_225 : vector<16xi1>, vector<16xf32>
          %select_n3A_546 = arith.select %eq3A_537, %gather3A_193, %gather3A_229 : vector<16xi1>, vector<16xf32>
          %mul3A_547 = arith.mulf %select_n3A_538, %gather3A_521 : vector<16xf32>
          %mul3A_548 = arith.mulf %select_n3A_539, %gather3A_525 : vector<16xf32>
          %add3A_549 = arith.addf %mul3A_547, %mul3A_548 : vector<16xf32>
          %mul3A_550 = arith.mulf %select_n3A_540, %gather3A_529 : vector<16xf32>
          %add3A_551 = arith.addf %add3A_549, %mul3A_550 : vector<16xf32>
          %add3A_552 = arith.addf %add3A_551, %gather3A_233 : vector<16xf32>
          %mul3A_553 = arith.mulf %select_n3A_541, %gather3A_521 : vector<16xf32>
          %mul3A_554 = arith.mulf %select_n3A_542, %gather3A_525 : vector<16xf32>
          %add3A_555 = arith.addf %mul3A_553, %mul3A_554 : vector<16xf32>
          %mul3A_556 = arith.mulf %select_n3A_543, %gather3A_529 : vector<16xf32>
          %add3A_557 = arith.addf %add3A_555, %mul3A_556 : vector<16xf32>
          %add3A_558 = arith.addf %add3A_557, %gather3A_237 : vector<16xf32>
          %mul3A_559 = arith.mulf %select_n3A_544, %gather3A_521 : vector<16xf32>
          %mul3A_560 = arith.mulf %select_n3A_545, %gather3A_525 : vector<16xf32>
          %add3A_561 = arith.addf %mul3A_559, %mul3A_560 : vector<16xf32>
          %mul3A_562 = arith.mulf %select_n3A_546, %gather3A_529 : vector<16xf32>
          %add3A_563 = arith.addf %add3A_561, %mul3A_562 : vector<16xf32>
          %add3A_564 = arith.addf %add3A_563, %gather3A_241 : vector<16xf32>
          tpu.vector_store_idx %arg19[%add3A_154, %add3A_520], %add3A_552 : memref<2x1800xf32, #tpu.memory_space<vmem>>[vector<16xi32>, vector<16xi32>], vector<16xf32>,
          %add3A_565 = arith.constant 1 : i32
          %add3A_566 = vector.broadcast %add3A_565 : i32 to vector<16xi32>
          %add3A_567 = arith.addi %add3A_520, %add3A_566 : vector<16xi32>
          tpu.vector_store_idx %arg19[%add3A_154, %add3A_567], %add3A_558 : memref<2x1800xf32, #tpu.memory_space<vmem>>[vector<16xi32>, vector<16xi32>], vector<16xf32>,
          %add3A_568 = arith.constant 2 : i32
          %add3A_569 = vector.broadcast %add3A_568 : i32 to vector<16xi32>
          %add3A_570 = arith.addi %add3A_520, %add3A_569 : vector<16xi32>
          tpu.vector_store_idx %arg19[%add3A_154, %add3A_570], %add3A_564 : memref<2x1800xf32, #tpu.memory_space<vmem>>[vector<16xi32>, vector<16xi32>], vector<16xf32>,
          %scan3A_571 = arith.constant 0 : i32
          scf.yield %scan3A_571 : i32
        }
        %scan3A_255 = arith.constant 37 : i32
        %lt3A = arith.constant 8 : i32
        %lt3A_256 = vector.broadcast %lt3A : i32 to vector<16xi32>
        %lt3A_257 = arith.cmpi slt, %iota3A, %lt3A_256 : vector<16xi32>
        %add3A_258 = arith.constant 1776 : i32
        %add3A_259 = vector.broadcast %add3A_258 : i32 to vector<16xi32>
        %add3A_260 = arith.addi %mul3A_5, %add3A_259 : vector<16xi32>
        %min3A = arith.constant 1797 : i32
        %min3A_261 = vector.broadcast %min3A : i32 to vector<16xi32>
        %min3A_262 = arith.minsi %add3A_260, %min3A_261 : vector<16xi32>
        %gather3A_263 = tpu.vector_load_idx %arg17[%add3A_151, %min3A_262] masked %lt3A_257 : memref<8x2560xf32, #tpu.memory_space<vmem>>[vector<16xi32>, vector<16xi32>], vector<16xf32>, vector<16xi1>
        %add3A_264 = arith.constant 1 : i32
        %add3A_265 = vector.broadcast %add3A_264 : i32 to vector<16xi32>
        %add3A_266 = arith.addi %min3A_262, %add3A_265 : vector<16xi32>
        %gather3A_267 = tpu.vector_load_idx %arg17[%add3A_151, %add3A_266] masked %lt3A_257 : memref<8x2560xf32, #tpu.memory_space<vmem>>[vector<16xi32>, vector<16xi32>], vector<16xf32>, vector<16xi1>
        %add3A_268 = arith.constant 2 : i32
        %add3A_269 = vector.broadcast %add3A_268 : i32 to vector<16xi32>
        %add3A_270 = arith.addi %min3A_262, %add3A_269 : vector<16xi32>
        %gather3A_271 = tpu.vector_load_idx %arg17[%add3A_151, %add3A_270] masked %lt3A_257 : memref<8x2560xf32, #tpu.memory_space<vmem>>[vector<16xi32>, vector<16xi32>], vector<16xf32>, vector<16xi1>
        %add3A_272 = arith.constant 592 : i32
        %add3A_273 = vector.broadcast %add3A_272 : i32 to vector<16xi32>
        %add3A_274 = arith.addi %iota3A, %add3A_273 : vector<16xi32>
        %min3A_275 = arith.constant 599 : i32
        %min3A_276 = vector.broadcast %min3A_275 : i32 to vector<16xi32>
        %min3A_277 = arith.minsi %add3A_274, %min3A_276 : vector<16xi32>
        %add3A_278 = arith.constant 1800 : i32
        %add3A_279 = vector.broadcast %add3A_278 : i32 to vector<16xi32>
        %add3A_280 = arith.addi %min3A_277, %add3A_279 : vector<16xi32>
        %gather3A_281 = tpu.vector_load_idx %arg17[%add3A_151, %add3A_280] masked %lt3A_257 : memref<8x2560xf32, #tpu.memory_space<vmem>>[vector<16xi32>, vector<16xi32>], vector<16xf32>, vector<16xi1>
        %bitcast3A = vector.bitcast %gather3A_281 : vector<16xf32> to vector<16xi32>
        %eq3A = arith.constant 1 : i32
        %eq3A_282 = vector.broadcast %eq3A : i32 to vector<16xi32>
        %eq3A_283 = arith.cmpi eq, %bitcast3A, %eq3A_282 : vector<16xi32>
        %select_n3A = arith.select %eq3A_283, %gather3A, %gather3A_197 : vector<16xi1>, vector<16xf32>
        %select_n3A_284 = arith.select %eq3A_283, %gather3A_165, %gather3A_201 : vector<16xi1>, vector<16xf32>
        %select_n3A_285 = arith.select %eq3A_283, %gather3A_169, %gather3A_205 : vector<16xi1>, vector<16xf32>
        %select_n3A_286 = arith.select %eq3A_283, %gather3A_173, %gather3A_209 : vector<16xi1>, vector<16xf32>
        %select_n3A_287 = arith.select %eq3A_283, %gather3A_177, %gather3A_213 : vector<16xi1>, vector<16xf32>
        %select_n3A_288 = arith.select %eq3A_283, %gather3A_181, %gather3A_217 : vector<16xi1>, vector<16xf32>
        %select_n3A_289 = arith.select %eq3A_283, %gather3A_185, %gather3A_221 : vector<16xi1>, vector<16xf32>
        %select_n3A_290 = arith.select %eq3A_283, %gather3A_189, %gather3A_225 : vector<16xi1>, vector<16xf32>
        %select_n3A_291 = arith.select %eq3A_283, %gather3A_193, %gather3A_229 : vector<16xi1>, vector<16xf32>
        %mul3A_292 = arith.mulf %select_n3A, %gather3A_263 : vector<16xf32>
        %mul3A_293 = arith.mulf %select_n3A_284, %gather3A_267 : vector<16xf32>
        %add3A_294 = arith.addf %mul3A_292, %mul3A_293 : vector<16xf32>
        %mul3A_295 = arith.mulf %select_n3A_285, %gather3A_271 : vector<16xf32>
        %add3A_296 = arith.addf %add3A_294, %mul3A_295 : vector<16xf32>
        %add3A_297 = arith.addf %add3A_296, %gather3A_233 : vector<16xf32>
        %mul3A_298 = arith.mulf %select_n3A_286, %gather3A_263 : vector<16xf32>
        %mul3A_299 = arith.mulf %select_n3A_287, %gather3A_267 : vector<16xf32>
        %add3A_300 = arith.addf %mul3A_298, %mul3A_299 : vector<16xf32>
        %mul3A_301 = arith.mulf %select_n3A_288, %gather3A_271 : vector<16xf32>
        %add3A_302 = arith.addf %add3A_300, %mul3A_301 : vector<16xf32>
        %add3A_303 = arith.addf %add3A_302, %gather3A_237 : vector<16xf32>
        %mul3A_304 = arith.mulf %select_n3A_289, %gather3A_263 : vector<16xf32>
        %mul3A_305 = arith.mulf %select_n3A_290, %gather3A_267 : vector<16xf32>
        %add3A_306 = arith.addf %mul3A_304, %mul3A_305 : vector<16xf32>
        %mul3A_307 = arith.mulf %select_n3A_291, %gather3A_271 : vector<16xf32>
        %add3A_308 = arith.addf %add3A_306, %mul3A_307 : vector<16xf32>
        %add3A_309 = arith.addf %add3A_308, %gather3A_241 : vector<16xf32>
        tpu.vector_store_idx %arg19[%add3A_154, %min3A_262], %add3A_297 masked %lt3A_257 : memref<2x1800xf32, #tpu.memory_space<vmem>>[vector<16xi32>, vector<16xi32>], vector<16xf32>, vector<16xi1>
        %add3A_310 = arith.constant 1 : i32
        %add3A_311 = vector.broadcast %add3A_310 : i32 to vector<16xi32>
        %add3A_312 = arith.addi %min3A_262, %add3A_311 : vector<16xi32>
        tpu.vector_store_idx %arg19[%add3A_154, %add3A_312], %add3A_303 masked %lt3A_257 : memref<2x1800xf32, #tpu.memory_space<vmem>>[vector<16xi32>, vector<16xi32>], vector<16xf32>, vector<16xi1>
        %add3A_313 = arith.constant 2 : i32
        %add3A_314 = vector.broadcast %add3A_313 : i32 to vector<16xi32>
        %add3A_315 = arith.addi %min3A_262, %add3A_314 : vector<16xi32>
        tpu.vector_store_idx %arg19[%add3A_154, %add3A_315], %add3A_309 masked %lt3A_257 : memref<2x1800xf32, #tpu.memory_space<vmem>>[vector<16xi32>, vector<16xi32>], vector<16xf32>, vector<16xi1>
        %lt3A_316 = arith.constant 8 : i32
        %lt3A_317 = vector.broadcast %lt3A_316 : i32 to vector<16xi32>
        %lt3A_318 = arith.cmpi slt, %iota3A, %lt3A_317 : vector<16xi32>
        %ge3A_319 = arith.constant 0 : i32
        %ge3A_320 = vector.broadcast %ge3A_319 : i32 to vector<16xi32>
        %ge3A_321 = arith.cmpi sge, %iota3A, %ge3A_320 : vector<16xi32>
        %lt3A_322 = arith.constant 0 : i32
        %lt3A_323 = vector.broadcast %lt3A_322 : i32 to vector<16xi32>
        %lt3A_324 = arith.cmpi slt, %iota3A, %lt3A_323 : vector<16xi32>
        %add3A_325 = arith.constant 2400 : i32
        %add3A_326 = vector.broadcast %add3A_325 : i32 to vector<16xi32>
        %add3A_327 = arith.addi %mul3A_5, %add3A_326 : vector<16xi32>
        %gather3A_328 = tpu.vector_load_idx %arg17[%add3A_151, %add3A_327] : memref<8x2560xf32, #tpu.memory_space<vmem>>[vector<16xi32>, vector<16xi32>], vector<16xf32>,
        %add3A_329 = arith.constant 1 : i32
        %add3A_330 = vector.broadcast %add3A_329 : i32 to vector<16xi32>
        %add3A_331 = arith.addi %add3A_327, %add3A_330 : vector<16xi32>
        %gather3A_332 = tpu.vector_load_idx %arg17[%add3A_151, %add3A_331] : memref<8x2560xf32, #tpu.memory_space<vmem>>[vector<16xi32>, vector<16xi32>], vector<16xf32>,
        %add3A_333 = arith.constant 2 : i32
        %add3A_334 = vector.broadcast %add3A_333 : i32 to vector<16xi32>
        %add3A_335 = arith.addi %add3A_327, %add3A_334 : vector<16xi32>
        %gather3A_336 = tpu.vector_load_idx %arg17[%add3A_151, %add3A_335] : memref<8x2560xf32, #tpu.memory_space<vmem>>[vector<16xi32>, vector<16xi32>], vector<16xf32>,
        %select_n3A_337 = arith.select %lt3A_318, %gather3A, %gather3A_197 : vector<16xi1>, vector<16xf32>
        %select_n3A_338 = arith.select %lt3A_318, %gather3A_165, %gather3A_201 : vector<16xi1>, vector<16xf32>
        %select_n3A_339 = arith.select %lt3A_318, %gather3A_169, %gather3A_205 : vector<16xi1>, vector<16xf32>
        %select_n3A_340 = arith.select %lt3A_318, %gather3A_173, %gather3A_209 : vector<16xi1>, vector<16xf32>
        %select_n3A_341 = arith.select %lt3A_318, %gather3A_177, %gather3A_213 : vector<16xi1>, vector<16xf32>
        %select_n3A_342 = arith.select %lt3A_318, %gather3A_181, %gather3A_217 : vector<16xi1>, vector<16xf32>
        %select_n3A_343 = arith.select %lt3A_318, %gather3A_185, %gather3A_221 : vector<16xi1>, vector<16xf32>
        %select_n3A_344 = arith.select %lt3A_318, %gather3A_189, %gather3A_225 : vector<16xi1>, vector<16xf32>
        %select_n3A_345 = arith.select %lt3A_318, %gather3A_193, %gather3A_229 : vector<16xi1>, vector<16xf32>
        %mul3A_346 = arith.mulf %select_n3A_337, %gather3A_328 : vector<16xf32>
        %mul3A_347 = arith.mulf %select_n3A_338, %gather3A_332 : vector<16xf32>
        %add3A_348 = arith.addf %mul3A_346, %mul3A_347 : vector<16xf32>
        %mul3A_349 = arith.mulf %select_n3A_339, %gather3A_336 : vector<16xf32>
        %add3A_350 = arith.addf %add3A_348, %mul3A_349 : vector<16xf32>
        %add3A_351 = arith.addf %add3A_350, %gather3A_233 : vector<16xf32>
        %mul3A_352 = arith.mulf %select_n3A_340, %gather3A_328 : vector<16xf32>
        %mul3A_353 = arith.mulf %select_n3A_341, %gather3A_332 : vector<16xf32>
        %add3A_354 = arith.addf %mul3A_352, %mul3A_353 : vector<16xf32>
        %mul3A_355 = arith.mulf %select_n3A_342, %gather3A_336 : vector<16xf32>
        %add3A_356 = arith.addf %add3A_354, %mul3A_355 : vector<16xf32>
        %add3A_357 = arith.addf %add3A_356, %gather3A_237 : vector<16xf32>
        %mul3A_358 = arith.mulf %select_n3A_343, %gather3A_328 : vector<16xf32>
        %mul3A_359 = arith.mulf %select_n3A_344, %gather3A_332 : vector<16xf32>
        %add3A_360 = arith.addf %mul3A_358, %mul3A_359 : vector<16xf32>
        %mul3A_361 = arith.mulf %select_n3A_345, %gather3A_336 : vector<16xf32>
        %add3A_362 = arith.addf %add3A_360, %mul3A_361 : vector<16xf32>
        %add3A_363 = arith.addf %add3A_362, %gather3A_241 : vector<16xf32>
        %add3A_364 = arith.constant 0 : i32
        %add3A_365 = vector.broadcast %add3A_364 : i32 to vector<16xi32>
        %add3A_366 = arith.addi %mul3A_5, %add3A_365 : vector<16xi32>
        tpu.vector_store_idx %arg20[%add3A_154, %add3A_366], %add3A_351 : memref<2x48xf32, #tpu.memory_space<vmem>>[vector<16xi32>, vector<16xi32>], vector<16xf32>,
        %add3A_367 = arith.constant 1 : i32
        %add3A_368 = vector.broadcast %add3A_367 : i32 to vector<16xi32>
        %add3A_369 = arith.addi %add3A_366, %add3A_368 : vector<16xi32>
        tpu.vector_store_idx %arg20[%add3A_154, %add3A_369], %add3A_357 : memref<2x48xf32, #tpu.memory_space<vmem>>[vector<16xi32>, vector<16xi32>], vector<16xf32>,
        %add3A_370 = arith.constant 2 : i32
        %add3A_371 = vector.broadcast %add3A_370 : i32 to vector<16xi32>
        %add3A_372 = arith.addi %add3A_366, %add3A_371 : vector<16xi32>
        tpu.vector_store_idx %arg20[%add3A_154, %add3A_372], %add3A_363 : memref<2x48xf32, #tpu.memory_space<vmem>>[vector<16xi32>, vector<16xi32>], vector<16xf32>,
        %add3A_373 = arith.constant 2448 : i32
        %add3A_374 = vector.broadcast %add3A_373 : i32 to vector<16xi32>
        %add3A_375 = arith.addi %mul3A_5, %add3A_374 : vector<16xi32>
        %gather3A_376 = tpu.vector_load_idx %arg17[%add3A_151, %add3A_375] : memref<8x2560xf32, #tpu.memory_space<vmem>>[vector<16xi32>, vector<16xi32>], vector<16xf32>,
        %add3A_377 = arith.constant 1 : i32
        %add3A_378 = vector.broadcast %add3A_377 : i32 to vector<16xi32>
        %add3A_379 = arith.addi %add3A_375, %add3A_378 : vector<16xi32>
        %gather3A_380 = tpu.vector_load_idx %arg17[%add3A_151, %add3A_379] : memref<8x2560xf32, #tpu.memory_space<vmem>>[vector<16xi32>, vector<16xi32>], vector<16xf32>,
        %add3A_381 = arith.constant 2 : i32
        %add3A_382 = vector.broadcast %add3A_381 : i32 to vector<16xi32>
        %add3A_383 = arith.addi %add3A_375, %add3A_382 : vector<16xi32>
        %gather3A_384 = tpu.vector_load_idx %arg17[%add3A_151, %add3A_383] : memref<8x2560xf32, #tpu.memory_space<vmem>>[vector<16xi32>, vector<16xi32>], vector<16xf32>,
        %select_n3A_385 = arith.select %ge3A_321, %gather3A, %gather3A_197 : vector<16xi1>, vector<16xf32>
        %select_n3A_386 = arith.select %ge3A_321, %gather3A_165, %gather3A_201 : vector<16xi1>, vector<16xf32>
        %select_n3A_387 = arith.select %ge3A_321, %gather3A_169, %gather3A_205 : vector<16xi1>, vector<16xf32>
        %select_n3A_388 = arith.select %ge3A_321, %gather3A_173, %gather3A_209 : vector<16xi1>, vector<16xf32>
        %select_n3A_389 = arith.select %ge3A_321, %gather3A_177, %gather3A_213 : vector<16xi1>, vector<16xf32>
        %select_n3A_390 = arith.select %ge3A_321, %gather3A_181, %gather3A_217 : vector<16xi1>, vector<16xf32>
        %select_n3A_391 = arith.select %ge3A_321, %gather3A_185, %gather3A_221 : vector<16xi1>, vector<16xf32>
        %select_n3A_392 = arith.select %ge3A_321, %gather3A_189, %gather3A_225 : vector<16xi1>, vector<16xf32>
        %select_n3A_393 = arith.select %ge3A_321, %gather3A_193, %gather3A_229 : vector<16xi1>, vector<16xf32>
        %mul3A_394 = arith.mulf %select_n3A_385, %gather3A_376 : vector<16xf32>
        %mul3A_395 = arith.mulf %select_n3A_386, %gather3A_380 : vector<16xf32>
        %add3A_396 = arith.addf %mul3A_394, %mul3A_395 : vector<16xf32>
        %mul3A_397 = arith.mulf %select_n3A_387, %gather3A_384 : vector<16xf32>
        %add3A_398 = arith.addf %add3A_396, %mul3A_397 : vector<16xf32>
        %add3A_399 = arith.addf %add3A_398, %gather3A_233 : vector<16xf32>
        %mul3A_400 = arith.mulf %select_n3A_388, %gather3A_376 : vector<16xf32>
        %mul3A_401 = arith.mulf %select_n3A_389, %gather3A_380 : vector<16xf32>
        %add3A_402 = arith.addf %mul3A_400, %mul3A_401 : vector<16xf32>
        %mul3A_403 = arith.mulf %select_n3A_390, %gather3A_384 : vector<16xf32>
        %add3A_404 = arith.addf %add3A_402, %mul3A_403 : vector<16xf32>
        %add3A_405 = arith.addf %add3A_404, %gather3A_237 : vector<16xf32>
        %mul3A_406 = arith.mulf %select_n3A_391, %gather3A_376 : vector<16xf32>
        %mul3A_407 = arith.mulf %select_n3A_392, %gather3A_380 : vector<16xf32>
        %add3A_408 = arith.addf %mul3A_406, %mul3A_407 : vector<16xf32>
        %mul3A_409 = arith.mulf %select_n3A_393, %gather3A_384 : vector<16xf32>
        %add3A_410 = arith.addf %add3A_408, %mul3A_409 : vector<16xf32>
        %add3A_411 = arith.addf %add3A_410, %gather3A_241 : vector<16xf32>
        %add3A_412 = arith.constant 0 : i32
        %add3A_413 = vector.broadcast %add3A_412 : i32 to vector<16xi32>
        %add3A_414 = arith.addi %mul3A_5, %add3A_413 : vector<16xi32>
        tpu.vector_store_idx %arg21[%add3A_154, %add3A_414], %add3A_399 : memref<2x96xf32, #tpu.memory_space<vmem>>[vector<16xi32>, vector<16xi32>], vector<16xf32>,
        %add3A_415 = arith.constant 1 : i32
        %add3A_416 = vector.broadcast %add3A_415 : i32 to vector<16xi32>
        %add3A_417 = arith.addi %add3A_414, %add3A_416 : vector<16xi32>
        tpu.vector_store_idx %arg21[%add3A_154, %add3A_417], %add3A_405 : memref<2x96xf32, #tpu.memory_space<vmem>>[vector<16xi32>, vector<16xi32>], vector<16xf32>,
        %add3A_418 = arith.constant 2 : i32
        %add3A_419 = vector.broadcast %add3A_418 : i32 to vector<16xi32>
        %add3A_420 = arith.addi %add3A_414, %add3A_419 : vector<16xi32>
        tpu.vector_store_idx %arg21[%add3A_154, %add3A_420], %add3A_411 : memref<2x96xf32, #tpu.memory_space<vmem>>[vector<16xi32>, vector<16xi32>], vector<16xf32>,
        %add3A_421 = arith.constant 2496 : i32
        %add3A_422 = vector.broadcast %add3A_421 : i32 to vector<16xi32>
        %add3A_423 = arith.addi %mul3A_5, %add3A_422 : vector<16xi32>
        %gather3A_424 = tpu.vector_load_idx %arg17[%add3A_151, %add3A_423] : memref<8x2560xf32, #tpu.memory_space<vmem>>[vector<16xi32>, vector<16xi32>], vector<16xf32>,
        %add3A_425 = arith.constant 1 : i32
        %add3A_426 = vector.broadcast %add3A_425 : i32 to vector<16xi32>
        %add3A_427 = arith.addi %add3A_423, %add3A_426 : vector<16xi32>
        %gather3A_428 = tpu.vector_load_idx %arg17[%add3A_151, %add3A_427] : memref<8x2560xf32, #tpu.memory_space<vmem>>[vector<16xi32>, vector<16xi32>], vector<16xf32>,
        %add3A_429 = arith.constant 2 : i32
        %add3A_430 = vector.broadcast %add3A_429 : i32 to vector<16xi32>
        %add3A_431 = arith.addi %add3A_423, %add3A_430 : vector<16xi32>
        %gather3A_432 = tpu.vector_load_idx %arg17[%add3A_151, %add3A_431] : memref<8x2560xf32, #tpu.memory_space<vmem>>[vector<16xi32>, vector<16xi32>], vector<16xf32>,
        %select_n3A_433 = arith.select %lt3A_324, %gather3A, %gather3A_197 : vector<16xi1>, vector<16xf32>
        %select_n3A_434 = arith.select %lt3A_324, %gather3A_165, %gather3A_201 : vector<16xi1>, vector<16xf32>
        %select_n3A_435 = arith.select %lt3A_324, %gather3A_169, %gather3A_205 : vector<16xi1>, vector<16xf32>
        %select_n3A_436 = arith.select %lt3A_324, %gather3A_173, %gather3A_209 : vector<16xi1>, vector<16xf32>
        %select_n3A_437 = arith.select %lt3A_324, %gather3A_177, %gather3A_213 : vector<16xi1>, vector<16xf32>
        %select_n3A_438 = arith.select %lt3A_324, %gather3A_181, %gather3A_217 : vector<16xi1>, vector<16xf32>
        %select_n3A_439 = arith.select %lt3A_324, %gather3A_185, %gather3A_221 : vector<16xi1>, vector<16xf32>
        %select_n3A_440 = arith.select %lt3A_324, %gather3A_189, %gather3A_225 : vector<16xi1>, vector<16xf32>
        %select_n3A_441 = arith.select %lt3A_324, %gather3A_193, %gather3A_229 : vector<16xi1>, vector<16xf32>
        %mul3A_442 = arith.mulf %select_n3A_433, %gather3A_424 : vector<16xf32>
        %mul3A_443 = arith.mulf %select_n3A_434, %gather3A_428 : vector<16xf32>
        %add3A_444 = arith.addf %mul3A_442, %mul3A_443 : vector<16xf32>
        %mul3A_445 = arith.mulf %select_n3A_435, %gather3A_432 : vector<16xf32>
        %add3A_446 = arith.addf %add3A_444, %mul3A_445 : vector<16xf32>
        %add3A_447 = arith.addf %add3A_446, %gather3A_233 : vector<16xf32>
        %mul3A_448 = arith.mulf %select_n3A_436, %gather3A_424 : vector<16xf32>
        %mul3A_449 = arith.mulf %select_n3A_437, %gather3A_428 : vector<16xf32>
        %add3A_450 = arith.addf %mul3A_448, %mul3A_449 : vector<16xf32>
        %mul3A_451 = arith.mulf %select_n3A_438, %gather3A_432 : vector<16xf32>
        %add3A_452 = arith.addf %add3A_450, %mul3A_451 : vector<16xf32>
        %add3A_453 = arith.addf %add3A_452, %gather3A_237 : vector<16xf32>
        %mul3A_454 = arith.mulf %select_n3A_439, %gather3A_424 : vector<16xf32>
        %mul3A_455 = arith.mulf %select_n3A_440, %gather3A_428 : vector<16xf32>
        %add3A_456 = arith.addf %mul3A_454, %mul3A_455 : vector<16xf32>
        %mul3A_457 = arith.mulf %select_n3A_441, %gather3A_432 : vector<16xf32>
        %add3A_458 = arith.addf %add3A_456, %mul3A_457 : vector<16xf32>
        %add3A_459 = arith.addf %add3A_458, %gather3A_241 : vector<16xf32>
        %add3A_460 = arith.constant 48 : i32
        %add3A_461 = vector.broadcast %add3A_460 : i32 to vector<16xi32>
        %add3A_462 = arith.addi %mul3A_5, %add3A_461 : vector<16xi32>
        tpu.vector_store_idx %arg21[%add3A_154, %add3A_462], %add3A_447 : memref<2x96xf32, #tpu.memory_space<vmem>>[vector<16xi32>, vector<16xi32>], vector<16xf32>,
        %add3A_463 = arith.constant 1 : i32
        %add3A_464 = vector.broadcast %add3A_463 : i32 to vector<16xi32>
        %add3A_465 = arith.addi %add3A_462, %add3A_464 : vector<16xi32>
        tpu.vector_store_idx %arg21[%add3A_154, %add3A_465], %add3A_453 : memref<2x96xf32, #tpu.memory_space<vmem>>[vector<16xi32>, vector<16xi32>], vector<16xf32>,
        %add3A_466 = arith.constant 2 : i32
        %add3A_467 = vector.broadcast %add3A_466 : i32 to vector<16xi32>
        %add3A_468 = arith.addi %add3A_462, %add3A_467 : vector<16xi32>
        tpu.vector_store_idx %arg21[%add3A_154, %add3A_468], %add3A_459 : memref<2x96xf32, #tpu.memory_space<vmem>>[vector<16xi32>, vector<16xi32>], vector<16xf32>,
        %add3A_469 = arith.constant 2544 : i32
        %add3A_470 = vector.broadcast %add3A_469 : i32 to vector<16xi32>
        %add3A_471 = arith.addi %broadcast_in_dim3A_6, %add3A_470 : vector<16xi32>
        %gather3A_472 = tpu.vector_load_idx %arg17[%add3A_151, %add3A_471] : memref<8x2560xf32, #tpu.memory_space<vmem>>[vector<16xi32>, vector<16xi32>], vector<16xf32>,
        %add3A_473 = vector.broadcast %add3A_148 : i32 to vector<16xi32>
        %add3A_474 = arith.addi %broadcast_in_dim3A_6, %add3A_473 : vector<16xi32>
        %lt3A_475 = arith.constant 1 : i32
        %lt3A_476 = vector.broadcast %lt3A_475 : i32 to vector<16xi32>
        %lt3A_477 = arith.cmpi slt, %iota3A, %lt3A_476 : vector<16xi32>
        tpu.vector_store_idx %arg14[%add3A_474], %gather3A_472 masked %lt3A_477 : memref<32xf32, #tpu.memory_space<vmem>>[vector<16xi32>], vector<16xf32>, vector<16xi1>
        %dma_start3A_478 = arith.constant 0 : i32
        %dma_start3A_479 = tpu.memref_slice %arg18[%and3A_152, %dma_start3A_478] : memref<2x6144xf32, #tpu.memory_space<vmem>> -> memref<1x6144xf32, #tpu.memory_space<vmem>>
        %dma_start3A_480 = arith.constant 0 : i32
        %dma_start3A_481 = tpu.memref_slice %arg7[%add3A_149, %dma_start3A_480] : memref<1024x6144xf32, #tpu.memory_space<hbm>> -> memref<1x6144xf32, #tpu.memory_space<hbm>>
        %dma_start3A_482 = arith.constant 0 : i32
        %dma_start3A_483 = tpu.memref_slice %arg7[%add3A_149, %dma_start3A_482] : memref<1024x6144xf32, #tpu.memory_space<hbm>> -> memref<1x6144xf32, #tpu.memory_space<hbm>>
        %dma_start3A_484 = arith.constant 0 : i32
        %dma_start3A_485 = tpu.memref_slice %arg18[%and3A_152, %dma_start3A_484] : memref<2x6144xf32, #tpu.memory_space<vmem>> -> memref<1x6144xf32, #tpu.memory_space<vmem>>
        tpu.enqueue_dma source(%dma_start3A_485 : memref<1x6144xf32, #tpu.memory_space<vmem>>) target(%dma_start3A_483 : memref<1x6144xf32, #tpu.memory_space<hbm>>) target_semaphore(%arg23 : memref<!tpu.dma_semaphore, #tpu.memory_space<semaphore_mem>>)
        %dma_start3A_486 = arith.constant 0 : i32
        %dma_start3A_487 = tpu.memref_slice %arg19[%and3A_152, %dma_start3A_486] : memref<2x1800xf32, #tpu.memory_space<vmem>> -> memref<1x1800xf32, #tpu.memory_space<vmem>>
        %dma_start3A_488 = arith.constant 0 : i32
        %dma_start3A_489 = tpu.memref_slice %arg8[%add3A_149, %dma_start3A_488] : memref<1024x1800xf32, #tpu.memory_space<hbm>> -> memref<1x1800xf32, #tpu.memory_space<hbm>>
        %dma_start3A_490 = arith.constant 0 : i32
        %dma_start3A_491 = tpu.memref_slice %arg8[%add3A_149, %dma_start3A_490] : memref<1024x1800xf32, #tpu.memory_space<hbm>> -> memref<1x1800xf32, #tpu.memory_space<hbm>>
        %dma_start3A_492 = arith.constant 0 : i32
        %dma_start3A_493 = tpu.memref_slice %arg19[%and3A_152, %dma_start3A_492] : memref<2x1800xf32, #tpu.memory_space<vmem>> -> memref<1x1800xf32, #tpu.memory_space<vmem>>
        tpu.enqueue_dma source(%dma_start3A_493 : memref<1x1800xf32, #tpu.memory_space<vmem>>) target(%dma_start3A_491 : memref<1x1800xf32, #tpu.memory_space<hbm>>) target_semaphore(%arg24 : memref<!tpu.dma_semaphore, #tpu.memory_space<semaphore_mem>>)
        %dma_start3A_494 = arith.constant 0 : i32
        %dma_start3A_495 = tpu.memref_slice %arg20[%and3A_152, %dma_start3A_494] : memref<2x48xf32, #tpu.memory_space<vmem>> -> memref<1x48xf32, #tpu.memory_space<vmem>>
        %dma_start3A_496 = arith.constant 0 : i32
        %dma_start3A_497 = tpu.memref_slice %arg9[%add3A_149, %dma_start3A_496] : memref<1024x48xf32, #tpu.memory_space<hbm>> -> memref<1x48xf32, #tpu.memory_space<hbm>>
        %dma_start3A_498 = arith.constant 0 : i32
        %dma_start3A_499 = tpu.memref_slice %arg9[%add3A_149, %dma_start3A_498] : memref<1024x48xf32, #tpu.memory_space<hbm>> -> memref<1x48xf32, #tpu.memory_space<hbm>>
        %dma_start3A_500 = arith.constant 0 : i32
        %dma_start3A_501 = tpu.memref_slice %arg20[%and3A_152, %dma_start3A_500] : memref<2x48xf32, #tpu.memory_space<vmem>> -> memref<1x48xf32, #tpu.memory_space<vmem>>
        tpu.enqueue_dma source(%dma_start3A_501 : memref<1x48xf32, #tpu.memory_space<vmem>>) target(%dma_start3A_499 : memref<1x48xf32, #tpu.memory_space<hbm>>) target_semaphore(%arg25 : memref<!tpu.dma_semaphore, #tpu.memory_space<semaphore_mem>>)
        %dma_start3A_502 = arith.constant 0 : i32
        %dma_start3A_503 = tpu.memref_slice %arg21[%and3A_152, %dma_start3A_502] : memref<2x96xf32, #tpu.memory_space<vmem>> -> memref<1x96xf32, #tpu.memory_space<vmem>>
        %dma_start3A_504 = arith.constant 0 : i32
        %dma_start3A_505 = tpu.memref_slice %arg10[%add3A_149, %dma_start3A_504] : memref<1024x96xf32, #tpu.memory_space<hbm>> -> memref<1x96xf32, #tpu.memory_space<hbm>>
        %dma_start3A_506 = arith.constant 0 : i32
        %dma_start3A_507 = tpu.memref_slice %arg10[%add3A_149, %dma_start3A_506] : memref<1024x96xf32, #tpu.memory_space<hbm>> -> memref<1x96xf32, #tpu.memory_space<hbm>>
        %dma_start3A_508 = arith.constant 0 : i32
        %dma_start3A_509 = tpu.memref_slice %arg21[%and3A_152, %dma_start3A_508] : memref<2x96xf32, #tpu.memory_space<vmem>> -> memref<1x96xf32, #tpu.memory_space<vmem>>
        tpu.enqueue_dma source(%dma_start3A_509 : memref<1x96xf32, #tpu.memory_space<vmem>>) target(%dma_start3A_507 : memref<1x96xf32, #tpu.memory_space<hbm>>) target_semaphore(%arg26 : memref<!tpu.dma_semaphore, #tpu.memory_space<semaphore_mem>>)
        %scan3A_510 = arith.constant 0 : i32
        scf.yield %scan3A_510 : i32
      }
      %scan3A_142 = arith.constant 8 : i32
      %scan3A_143 = arith.constant 0 : i32
      scf.yield %scan3A_143 : i32
    }
    %scan3A_18 = arith.constant 4 : i32
    %add3A_19 = arith.constant 32 : i32
    %add3A_20 = arith.addi %mul3A_2, %add3A_19 : i32
    %sub3A = arith.constant 2 : i32
    %sub3A_21 = arith.subi %add3A_20, %sub3A : i32
    %add3A_22 = arith.constant 0 : i32
    %add3A_23 = arith.addi %sub3A_21, %add3A_22 : i32
    %dma_wait3A = arith.constant 0 : i32
    %dma_wait3A_24 = arith.constant 0 : i32
    %dma_wait3A_25 = tpu.memref_slice %arg18[%dma_wait3A, %dma_wait3A_24] : memref<2x6144xf32, #tpu.memory_space<vmem>> -> memref<1x6144xf32, #tpu.memory_space<vmem>>
    %dma_wait3A_26 = arith.constant 0 : i32
    %dma_wait3A_27 = tpu.memref_slice %arg7[%add3A_23, %dma_wait3A_26] : memref<1024x6144xf32, #tpu.memory_space<hbm>> -> memref<1x6144xf32, #tpu.memory_space<hbm>>
    %dma_wait3A_28 = arith.constant 0 : i32
    %dma_wait3A_29 = tpu.memref_slice %arg7[%add3A_23, %dma_wait3A_28] : memref<1024x6144xf32, #tpu.memory_space<hbm>> -> memref<1x6144xf32, #tpu.memory_space<hbm>>
    %dma_wait3A_30 = arith.constant 0 : i32
    %dma_wait3A_31 = arith.constant 0 : i32
    %dma_wait3A_32 = tpu.memref_slice %arg18[%dma_wait3A_30, %dma_wait3A_31] : memref<2x6144xf32, #tpu.memory_space<vmem>> -> memref<1x6144xf32, #tpu.memory_space<vmem>>
    tpu.wait_dma2 semaphore(%arg23 : memref<!tpu.dma_semaphore, #tpu.memory_space<semaphore_mem>>) src(%dma_wait3A_32 : memref<1x6144xf32, #tpu.memory_space<vmem>>) dst(%dma_wait3A_29 : memref<1x6144xf32, #tpu.memory_space<hbm>>)
    %dma_wait3A_33 = arith.constant 0 : i32
    %dma_wait3A_34 = arith.constant 0 : i32
    %dma_wait3A_35 = tpu.memref_slice %arg19[%dma_wait3A_33, %dma_wait3A_34] : memref<2x1800xf32, #tpu.memory_space<vmem>> -> memref<1x1800xf32, #tpu.memory_space<vmem>>
    %dma_wait3A_36 = arith.constant 0 : i32
    %dma_wait3A_37 = tpu.memref_slice %arg8[%add3A_23, %dma_wait3A_36] : memref<1024x1800xf32, #tpu.memory_space<hbm>> -> memref<1x1800xf32, #tpu.memory_space<hbm>>
    %dma_wait3A_38 = arith.constant 0 : i32
    %dma_wait3A_39 = tpu.memref_slice %arg8[%add3A_23, %dma_wait3A_38] : memref<1024x1800xf32, #tpu.memory_space<hbm>> -> memref<1x1800xf32, #tpu.memory_space<hbm>>
    %dma_wait3A_40 = arith.constant 0 : i32
    %dma_wait3A_41 = arith.constant 0 : i32
    %dma_wait3A_42 = tpu.memref_slice %arg19[%dma_wait3A_40, %dma_wait3A_41] : memref<2x1800xf32, #tpu.memory_space<vmem>> -> memref<1x1800xf32, #tpu.memory_space<vmem>>
    tpu.wait_dma2 semaphore(%arg24 : memref<!tpu.dma_semaphore, #tpu.memory_space<semaphore_mem>>) src(%dma_wait3A_42 : memref<1x1800xf32, #tpu.memory_space<vmem>>) dst(%dma_wait3A_39 : memref<1x1800xf32, #tpu.memory_space<hbm>>)
    %dma_wait3A_43 = arith.constant 0 : i32
    %dma_wait3A_44 = arith.constant 0 : i32
    %dma_wait3A_45 = tpu.memref_slice %arg20[%dma_wait3A_43, %dma_wait3A_44] : memref<2x48xf32, #tpu.memory_space<vmem>> -> memref<1x48xf32, #tpu.memory_space<vmem>>
    %dma_wait3A_46 = arith.constant 0 : i32
    %dma_wait3A_47 = tpu.memref_slice %arg9[%add3A_23, %dma_wait3A_46] : memref<1024x48xf32, #tpu.memory_space<hbm>> -> memref<1x48xf32, #tpu.memory_space<hbm>>
    %dma_wait3A_48 = arith.constant 0 : i32
    %dma_wait3A_49 = tpu.memref_slice %arg9[%add3A_23, %dma_wait3A_48] : memref<1024x48xf32, #tpu.memory_space<hbm>> -> memref<1x48xf32, #tpu.memory_space<hbm>>
    %dma_wait3A_50 = arith.constant 0 : i32
    %dma_wait3A_51 = arith.constant 0 : i32
    %dma_wait3A_52 = tpu.memref_slice %arg20[%dma_wait3A_50, %dma_wait3A_51] : memref<2x48xf32, #tpu.memory_space<vmem>> -> memref<1x48xf32, #tpu.memory_space<vmem>>
    tpu.wait_dma2 semaphore(%arg25 : memref<!tpu.dma_semaphore, #tpu.memory_space<semaphore_mem>>) src(%dma_wait3A_52 : memref<1x48xf32, #tpu.memory_space<vmem>>) dst(%dma_wait3A_49 : memref<1x48xf32, #tpu.memory_space<hbm>>)
    %dma_wait3A_53 = arith.constant 0 : i32
    %dma_wait3A_54 = arith.constant 0 : i32
    %dma_wait3A_55 = tpu.memref_slice %arg21[%dma_wait3A_53, %dma_wait3A_54] : memref<2x96xf32, #tpu.memory_space<vmem>> -> memref<1x96xf32, #tpu.memory_space<vmem>>
    %dma_wait3A_56 = arith.constant 0 : i32
    %dma_wait3A_57 = tpu.memref_slice %arg10[%add3A_23, %dma_wait3A_56] : memref<1024x96xf32, #tpu.memory_space<hbm>> -> memref<1x96xf32, #tpu.memory_space<hbm>>
    %dma_wait3A_58 = arith.constant 0 : i32
    %dma_wait3A_59 = tpu.memref_slice %arg10[%add3A_23, %dma_wait3A_58] : memref<1024x96xf32, #tpu.memory_space<hbm>> -> memref<1x96xf32, #tpu.memory_space<hbm>>
    %dma_wait3A_60 = arith.constant 0 : i32
    %dma_wait3A_61 = arith.constant 0 : i32
    %dma_wait3A_62 = tpu.memref_slice %arg21[%dma_wait3A_60, %dma_wait3A_61] : memref<2x96xf32, #tpu.memory_space<vmem>> -> memref<1x96xf32, #tpu.memory_space<vmem>>
    tpu.wait_dma2 semaphore(%arg26 : memref<!tpu.dma_semaphore, #tpu.memory_space<semaphore_mem>>) src(%dma_wait3A_62 : memref<1x96xf32, #tpu.memory_space<vmem>>) dst(%dma_wait3A_59 : memref<1x96xf32, #tpu.memory_space<hbm>>)
    %add3A_63 = arith.constant 32 : i32
    %add3A_64 = arith.addi %mul3A_2, %add3A_63 : i32
    %sub3A_65 = arith.constant 2 : i32
    %sub3A_66 = arith.subi %add3A_64, %sub3A_65 : i32
    %add3A_67 = arith.constant 1 : i32
    %add3A_68 = arith.addi %sub3A_66, %add3A_67 : i32
    %dma_wait3A_69 = arith.constant 1 : i32
    %dma_wait3A_70 = arith.constant 0 : i32
    %dma_wait3A_71 = tpu.memref_slice %arg18[%dma_wait3A_69, %dma_wait3A_70] : memref<2x6144xf32, #tpu.memory_space<vmem>> -> memref<1x6144xf32, #tpu.memory_space<vmem>>
    %dma_wait3A_72 = arith.constant 0 : i32
    %dma_wait3A_73 = tpu.memref_slice %arg7[%add3A_68, %dma_wait3A_72] : memref<1024x6144xf32, #tpu.memory_space<hbm>> -> memref<1x6144xf32, #tpu.memory_space<hbm>>
    %dma_wait3A_74 = arith.constant 0 : i32
    %dma_wait3A_75 = tpu.memref_slice %arg7[%add3A_68, %dma_wait3A_74] : memref<1024x6144xf32, #tpu.memory_space<hbm>> -> memref<1x6144xf32, #tpu.memory_space<hbm>>
    %dma_wait3A_76 = arith.constant 1 : i32
    %dma_wait3A_77 = arith.constant 0 : i32
    %dma_wait3A_78 = tpu.memref_slice %arg18[%dma_wait3A_76, %dma_wait3A_77] : memref<2x6144xf32, #tpu.memory_space<vmem>> -> memref<1x6144xf32, #tpu.memory_space<vmem>>
    tpu.wait_dma2 semaphore(%arg23 : memref<!tpu.dma_semaphore, #tpu.memory_space<semaphore_mem>>) src(%dma_wait3A_78 : memref<1x6144xf32, #tpu.memory_space<vmem>>) dst(%dma_wait3A_75 : memref<1x6144xf32, #tpu.memory_space<hbm>>)
    %dma_wait3A_79 = arith.constant 1 : i32
    %dma_wait3A_80 = arith.constant 0 : i32
    %dma_wait3A_81 = tpu.memref_slice %arg19[%dma_wait3A_79, %dma_wait3A_80] : memref<2x1800xf32, #tpu.memory_space<vmem>> -> memref<1x1800xf32, #tpu.memory_space<vmem>>
    %dma_wait3A_82 = arith.constant 0 : i32
    %dma_wait3A_83 = tpu.memref_slice %arg8[%add3A_68, %dma_wait3A_82] : memref<1024x1800xf32, #tpu.memory_space<hbm>> -> memref<1x1800xf32, #tpu.memory_space<hbm>>
    %dma_wait3A_84 = arith.constant 0 : i32
    %dma_wait3A_85 = tpu.memref_slice %arg8[%add3A_68, %dma_wait3A_84] : memref<1024x1800xf32, #tpu.memory_space<hbm>> -> memref<1x1800xf32, #tpu.memory_space<hbm>>
    %dma_wait3A_86 = arith.constant 1 : i32
    %dma_wait3A_87 = arith.constant 0 : i32
    %dma_wait3A_88 = tpu.memref_slice %arg19[%dma_wait3A_86, %dma_wait3A_87] : memref<2x1800xf32, #tpu.memory_space<vmem>> -> memref<1x1800xf32, #tpu.memory_space<vmem>>
    tpu.wait_dma2 semaphore(%arg24 : memref<!tpu.dma_semaphore, #tpu.memory_space<semaphore_mem>>) src(%dma_wait3A_88 : memref<1x1800xf32, #tpu.memory_space<vmem>>) dst(%dma_wait3A_85 : memref<1x1800xf32, #tpu.memory_space<hbm>>)
    %dma_wait3A_89 = arith.constant 1 : i32
    %dma_wait3A_90 = arith.constant 0 : i32
    %dma_wait3A_91 = tpu.memref_slice %arg20[%dma_wait3A_89, %dma_wait3A_90] : memref<2x48xf32, #tpu.memory_space<vmem>> -> memref<1x48xf32, #tpu.memory_space<vmem>>
    %dma_wait3A_92 = arith.constant 0 : i32
    %dma_wait3A_93 = tpu.memref_slice %arg9[%add3A_68, %dma_wait3A_92] : memref<1024x48xf32, #tpu.memory_space<hbm>> -> memref<1x48xf32, #tpu.memory_space<hbm>>
    %dma_wait3A_94 = arith.constant 0 : i32
    %dma_wait3A_95 = tpu.memref_slice %arg9[%add3A_68, %dma_wait3A_94] : memref<1024x48xf32, #tpu.memory_space<hbm>> -> memref<1x48xf32, #tpu.memory_space<hbm>>
    %dma_wait3A_96 = arith.constant 1 : i32
    %dma_wait3A_97 = arith.constant 0 : i32
    %dma_wait3A_98 = tpu.memref_slice %arg20[%dma_wait3A_96, %dma_wait3A_97] : memref<2x48xf32, #tpu.memory_space<vmem>> -> memref<1x48xf32, #tpu.memory_space<vmem>>
    tpu.wait_dma2 semaphore(%arg25 : memref<!tpu.dma_semaphore, #tpu.memory_space<semaphore_mem>>) src(%dma_wait3A_98 : memref<1x48xf32, #tpu.memory_space<vmem>>) dst(%dma_wait3A_95 : memref<1x48xf32, #tpu.memory_space<hbm>>)
    %dma_wait3A_99 = arith.constant 1 : i32
    %dma_wait3A_100 = arith.constant 0 : i32
    %dma_wait3A_101 = tpu.memref_slice %arg21[%dma_wait3A_99, %dma_wait3A_100] : memref<2x96xf32, #tpu.memory_space<vmem>> -> memref<1x96xf32, #tpu.memory_space<vmem>>
    %dma_wait3A_102 = arith.constant 0 : i32
    %dma_wait3A_103 = tpu.memref_slice %arg10[%add3A_68, %dma_wait3A_102] : memref<1024x96xf32, #tpu.memory_space<hbm>> -> memref<1x96xf32, #tpu.memory_space<hbm>>
    %dma_wait3A_104 = arith.constant 0 : i32
    %dma_wait3A_105 = tpu.memref_slice %arg10[%add3A_68, %dma_wait3A_104] : memref<1024x96xf32, #tpu.memory_space<hbm>> -> memref<1x96xf32, #tpu.memory_space<hbm>>
    %dma_wait3A_106 = arith.constant 1 : i32
    %dma_wait3A_107 = arith.constant 0 : i32
    %dma_wait3A_108 = tpu.memref_slice %arg21[%dma_wait3A_106, %dma_wait3A_107] : memref<2x96xf32, #tpu.memory_space<vmem>> -> memref<1x96xf32, #tpu.memory_space<vmem>>
    tpu.wait_dma2 semaphore(%arg26 : memref<!tpu.dma_semaphore, #tpu.memory_space<semaphore_mem>>) src(%dma_wait3A_108 : memref<1x96xf32, #tpu.memory_space<vmem>>) dst(%dma_wait3A_105 : memref<1x96xf32, #tpu.memory_space<hbm>>)
    "tpu.region"() ({
      %run_scoped3A = tpu.sem_alloc : memref<!tpu.dma_semaphore, #tpu.memory_space<semaphore_mem>>
      %dma_start3A = tpu.memref_slice %arg11[%mul3A_2] : memref<1024xf32, #tpu.memory_space<hbm>> -> memref<32xf32, #tpu.memory_space<hbm>>
      %dma_start3A_109 = tpu.memref_slice %arg11[%mul3A_2] : memref<1024xf32, #tpu.memory_space<hbm>> -> memref<32xf32, #tpu.memory_space<hbm>>
      tpu.enqueue_dma source(%arg14 : memref<32xf32, #tpu.memory_space<vmem>>) target(%dma_start3A_109 : memref<32xf32, #tpu.memory_space<hbm>>) target_semaphore(%run_scoped3A : memref<!tpu.dma_semaphore, #tpu.memory_space<semaphore_mem>>)
      %dma_wait3A_110 = tpu.memref_slice %arg11[%mul3A_2] : memref<1024xf32, #tpu.memory_space<hbm>> -> memref<32xf32, #tpu.memory_space<hbm>>
      %dma_wait3A_111 = tpu.memref_slice %arg11[%mul3A_2] : memref<1024xf32, #tpu.memory_space<hbm>> -> memref<32xf32, #tpu.memory_space<hbm>>
      tpu.wait_dma2 semaphore(%run_scoped3A : memref<!tpu.dma_semaphore, #tpu.memory_space<semaphore_mem>>) src(%arg14 : memref<32xf32, #tpu.memory_space<vmem>>) dst(%dma_wait3A_111 : memref<32xf32, #tpu.memory_space<hbm>>)
      tpu.yield
    }) : () -> ()
    return
  }
}

module attributes {stable_mosaic.version = 14 : i64} {
  func.func @_coeff_body(%arg0: memref<1024x1xf32, #tpu.memory_space<vmem>>, %arg1: memref<1024x3xf32, #tpu.memory_space<vmem>>, %arg2: memref<1024x3xf32, #tpu.memory_space<vmem>>, %arg3: memref<1024x32xf32, #tpu.memory_space<vmem>>) attributes {dimension_semantics = [], scalar_prefetch = 0 : i64, scratch_operands = 0 : i64, tpu.core_type = #tpu.core_type<tc>} {
    %get3A = arith.constant 0 : index
    %get3A_0 = arith.constant 0 : index
    %get3A_1 = vector.load %arg0[%get3A, %get3A_0] : memref<1024x1xf32, #tpu.memory_space<vmem>>, vector<1024x1xf32>
    %mul3A = arith.constant 5.000000e-01 : f32
    %mul3A_2 = vector.broadcast %mul3A : f32 to vector<1024x1xf32>
    %mul3A_3 = arith.mulf %mul3A_2, %get3A_1 : vector<1024x1xf32>
    %cos3A = math.cos %mul3A_3 : vector<1024x1xf32>
    %mul3A_4 = arith.constant 5.000000e-01 : f32
    %mul3A_5 = vector.broadcast %mul3A_4 : f32 to vector<1024x1xf32>
    %mul3A_6 = arith.mulf %mul3A_5, %get3A_1 : vector<1024x1xf32>
    %sin3A = math.sin %mul3A_6 : vector<1024x1xf32>
    %neg3A = arith.constant 0.000000e+00 : f32
    %neg3A_7 = vector.broadcast %neg3A : f32 to vector<1024x1xf32>
    %neg3A_8 = arith.subf %neg3A_7, %sin3A : vector<1024x1xf32>
    %get3A_9 = arith.constant 0 : index
    %get3A_10 = arith.constant 0 : index
    %get3A_11 = vector.load %arg1[%get3A_9, %get3A_10] : memref<1024x3xf32, #tpu.memory_space<vmem>>, vector<1024x3xf32>
    %slice3A = vector.extract_strided_slice %get3A_11 {offsets = [0, 0], sizes = [1024, 1], strides = [1, 1]} : vector<1024x3xf32> to vector<1024x1xf32>
    %slice3A_12 = vector.extract_strided_slice %get3A_11 {offsets = [0, 1], sizes = [1024, 1], strides = [1, 1]} : vector<1024x3xf32> to vector<1024x1xf32>
    %slice3A_13 = vector.extract_strided_slice %get3A_11 {offsets = [0, 2], sizes = [1024, 1], strides = [1, 1]} : vector<1024x3xf32> to vector<1024x1xf32>
    %mul3A_14 = arith.mulf %slice3A, %slice3A : vector<1024x1xf32>
    %mul3A_15 = arith.mulf %slice3A_12, %slice3A_12 : vector<1024x1xf32>
    %add3A = arith.addf %mul3A_14, %mul3A_15 : vector<1024x1xf32>
    %mul3A_16 = arith.mulf %slice3A_13, %slice3A_13 : vector<1024x1xf32>
    %add3A_17 = arith.addf %add3A, %mul3A_16 : vector<1024x1xf32>
    %sqrt3A = math.sqrt %add3A_17 : vector<1024x1xf32>
    %mul3A_18 = arith.constant 5.000000e-01 : f32
    %mul3A_19 = vector.broadcast %mul3A_18 : f32 to vector<1024x1xf32>
    %mul3A_20 = arith.mulf %mul3A_19, %sqrt3A : vector<1024x1xf32>
    %cos3A_21 = math.cos %mul3A_20 : vector<1024x1xf32>
    %lt3A = arith.constant 9.99999997E-7 : f32
    %lt3A_22 = vector.broadcast %lt3A : f32 to vector<1024x1xf32>
    %lt3A_23 = arith.cmpf olt, %sqrt3A, %lt3A_22 : vector<1024x1xf32>
    %broadcast_in_dim3A = arith.constant 1.000000e+00 : f32
    %broadcast_in_dim3A_24 = vector.broadcast %broadcast_in_dim3A : f32 to vector<1024x1xf32>
    %select_n3A = arith.select %lt3A_23, %broadcast_in_dim3A_24, %sqrt3A : vector<1024x1xi1>, vector<1024x1xf32>
    %lt3A_25 = arith.constant 9.99999997E-7 : f32
    %lt3A_26 = vector.broadcast %lt3A_25 : f32 to vector<1024x1xf32>
    %lt3A_27 = arith.cmpf olt, %sqrt3A, %lt3A_26 : vector<1024x1xf32>
    %div3A = arith.constant 4.800000e+01 : f32
    %div3A_28 = vector.broadcast %div3A : f32 to vector<1024x1xf32>
    %div3A_29 = arith.divf %add3A_17, %div3A_28 : vector<1024x1xf32>
    %sub3A = arith.constant 5.000000e-01 : f32
    %sub3A_30 = vector.broadcast %sub3A : f32 to vector<1024x1xf32>
    %sub3A_31 = arith.subf %sub3A_30, %div3A_29 : vector<1024x1xf32>
    %mul3A_32 = arith.constant 5.000000e-01 : f32
    %mul3A_33 = vector.broadcast %mul3A_32 : f32 to vector<1024x1xf32>
    %mul3A_34 = arith.mulf %mul3A_33, %sqrt3A : vector<1024x1xf32>
    %sin3A_35 = math.sin %mul3A_34 : vector<1024x1xf32>
    %div3A_36 = arith.divf %sin3A_35, %select_n3A : vector<1024x1xf32>
    %select_n3A_37 = arith.select %lt3A_27, %sub3A_31, %div3A_36 : vector<1024x1xi1>, vector<1024x1xf32>
    %mul3A_38 = arith.mulf %slice3A, %select_n3A_37 : vector<1024x1xf32>
    %mul3A_39 = arith.mulf %slice3A_12, %select_n3A_37 : vector<1024x1xf32>
    %mul3A_40 = arith.mulf %slice3A_13, %select_n3A_37 : vector<1024x1xf32>
    %mul3A_41 = arith.mulf %cos3A_21, %cos3A : vector<1024x1xf32>
    %mul3A_42 = arith.mulf %mul3A_40, %neg3A_8 : vector<1024x1xf32>
    %sub3A_43 = arith.subf %mul3A_41, %mul3A_42 : vector<1024x1xf32>
    %mul3A_44 = arith.mulf %mul3A_38, %cos3A : vector<1024x1xf32>
    %mul3A_45 = arith.mulf %mul3A_39, %neg3A_8 : vector<1024x1xf32>
    %add3A_46 = arith.addf %mul3A_44, %mul3A_45 : vector<1024x1xf32>
    %mul3A_47 = arith.mulf %mul3A_39, %cos3A : vector<1024x1xf32>
    %mul3A_48 = arith.mulf %mul3A_38, %neg3A_8 : vector<1024x1xf32>
    %sub3A_49 = arith.subf %mul3A_47, %mul3A_48 : vector<1024x1xf32>
    %mul3A_50 = arith.mulf %cos3A_21, %neg3A_8 : vector<1024x1xf32>
    %mul3A_51 = arith.mulf %mul3A_40, %cos3A : vector<1024x1xf32>
    %add3A_52 = arith.addf %mul3A_50, %mul3A_51 : vector<1024x1xf32>
    %get3A_53 = arith.constant 0 : index
    %get3A_54 = arith.constant 0 : index
    %get3A_55 = vector.load %arg2[%get3A_53, %get3A_54] : memref<1024x3xf32, #tpu.memory_space<vmem>>, vector<1024x3xf32>
    %mul3A_56 = arith.mulf %sub3A_49, %sub3A_49 : vector<1024x1xf32>
    %mul3A_57 = arith.mulf %add3A_52, %add3A_52 : vector<1024x1xf32>
    %add3A_58 = arith.addf %mul3A_56, %mul3A_57 : vector<1024x1xf32>
    %mul3A_59 = arith.constant 2.000000e+00 : f32
    %mul3A_60 = vector.broadcast %mul3A_59 : f32 to vector<1024x1xf32>
    %mul3A_61 = arith.mulf %mul3A_60, %add3A_58 : vector<1024x1xf32>
    %sub3A_62 = arith.constant 1.000000e+00 : f32
    %sub3A_63 = vector.broadcast %sub3A_62 : f32 to vector<1024x1xf32>
    %sub3A_64 = arith.subf %sub3A_63, %mul3A_61 : vector<1024x1xf32>
    %mul3A_65 = arith.mulf %add3A_46, %sub3A_49 : vector<1024x1xf32>
    %mul3A_66 = arith.mulf %sub3A_43, %add3A_52 : vector<1024x1xf32>
    %sub3A_67 = arith.subf %mul3A_65, %mul3A_66 : vector<1024x1xf32>
    %mul3A_68 = arith.constant 2.000000e+00 : f32
    %mul3A_69 = vector.broadcast %mul3A_68 : f32 to vector<1024x1xf32>
    %mul3A_70 = arith.mulf %mul3A_69, %sub3A_67 : vector<1024x1xf32>
    %mul3A_71 = arith.mulf %add3A_46, %add3A_52 : vector<1024x1xf32>
    %mul3A_72 = arith.mulf %sub3A_43, %sub3A_49 : vector<1024x1xf32>
    %add3A_73 = arith.addf %mul3A_71, %mul3A_72 : vector<1024x1xf32>
    %mul3A_74 = arith.constant 2.000000e+00 : f32
    %mul3A_75 = vector.broadcast %mul3A_74 : f32 to vector<1024x1xf32>
    %mul3A_76 = arith.mulf %mul3A_75, %add3A_73 : vector<1024x1xf32>
    %mul3A_77 = arith.mulf %add3A_46, %sub3A_49 : vector<1024x1xf32>
    %mul3A_78 = arith.mulf %sub3A_43, %add3A_52 : vector<1024x1xf32>
    %add3A_79 = arith.addf %mul3A_77, %mul3A_78 : vector<1024x1xf32>
    %mul3A_80 = arith.constant 2.000000e+00 : f32
    %mul3A_81 = vector.broadcast %mul3A_80 : f32 to vector<1024x1xf32>
    %mul3A_82 = arith.mulf %mul3A_81, %add3A_79 : vector<1024x1xf32>
    %mul3A_83 = arith.mulf %add3A_46, %add3A_46 : vector<1024x1xf32>
    %mul3A_84 = arith.mulf %add3A_52, %add3A_52 : vector<1024x1xf32>
    %add3A_85 = arith.addf %mul3A_83, %mul3A_84 : vector<1024x1xf32>
    %mul3A_86 = arith.constant 2.000000e+00 : f32
    %mul3A_87 = vector.broadcast %mul3A_86 : f32 to vector<1024x1xf32>
    %mul3A_88 = arith.mulf %mul3A_87, %add3A_85 : vector<1024x1xf32>
    %sub3A_89 = arith.constant 1.000000e+00 : f32
    %sub3A_90 = vector.broadcast %sub3A_89 : f32 to vector<1024x1xf32>
    %sub3A_91 = arith.subf %sub3A_90, %mul3A_88 : vector<1024x1xf32>
    %mul3A_92 = arith.mulf %sub3A_49, %add3A_52 : vector<1024x1xf32>
    %mul3A_93 = arith.mulf %sub3A_43, %add3A_46 : vector<1024x1xf32>
    %sub3A_94 = arith.subf %mul3A_92, %mul3A_93 : vector<1024x1xf32>
    %mul3A_95 = arith.constant 2.000000e+00 : f32
    %mul3A_96 = vector.broadcast %mul3A_95 : f32 to vector<1024x1xf32>
    %mul3A_97 = arith.mulf %mul3A_96, %sub3A_94 : vector<1024x1xf32>
    %mul3A_98 = arith.mulf %add3A_46, %add3A_52 : vector<1024x1xf32>
    %mul3A_99 = arith.mulf %sub3A_43, %sub3A_49 : vector<1024x1xf32>
    %sub3A_100 = arith.subf %mul3A_98, %mul3A_99 : vector<1024x1xf32>
    %mul3A_101 = arith.constant 2.000000e+00 : f32
    %mul3A_102 = vector.broadcast %mul3A_101 : f32 to vector<1024x1xf32>
    %mul3A_103 = arith.mulf %mul3A_102, %sub3A_100 : vector<1024x1xf32>
    %mul3A_104 = arith.mulf %sub3A_49, %add3A_52 : vector<1024x1xf32>
    %mul3A_105 = arith.mulf %sub3A_43, %add3A_46 : vector<1024x1xf32>
    %add3A_106 = arith.addf %mul3A_104, %mul3A_105 : vector<1024x1xf32>
    %mul3A_107 = arith.constant 2.000000e+00 : f32
    %mul3A_108 = vector.broadcast %mul3A_107 : f32 to vector<1024x1xf32>
    %mul3A_109 = arith.mulf %mul3A_108, %add3A_106 : vector<1024x1xf32>
    %mul3A_110 = arith.mulf %add3A_46, %add3A_46 : vector<1024x1xf32>
    %mul3A_111 = arith.mulf %sub3A_49, %sub3A_49 : vector<1024x1xf32>
    %add3A_112 = arith.addf %mul3A_110, %mul3A_111 : vector<1024x1xf32>
    %mul3A_113 = arith.constant 2.000000e+00 : f32
    %mul3A_114 = vector.broadcast %mul3A_113 : f32 to vector<1024x1xf32>
    %mul3A_115 = arith.mulf %mul3A_114, %add3A_112 : vector<1024x1xf32>
    %sub3A_116 = arith.constant 1.000000e+00 : f32
    %sub3A_117 = vector.broadcast %sub3A_116 : f32 to vector<1024x1xf32>
    %sub3A_118 = arith.subf %sub3A_117, %mul3A_115 : vector<1024x1xf32>
    %mul3A_119 = arith.mulf %mul3A_39, %mul3A_39 : vector<1024x1xf32>
    %mul3A_120 = arith.mulf %mul3A_40, %mul3A_40 : vector<1024x1xf32>
    %add3A_121 = arith.addf %mul3A_119, %mul3A_120 : vector<1024x1xf32>
    %mul3A_122 = arith.constant 2.000000e+00 : f32
    %mul3A_123 = vector.broadcast %mul3A_122 : f32 to vector<1024x1xf32>
    %mul3A_124 = arith.mulf %mul3A_123, %add3A_121 : vector<1024x1xf32>
    %sub3A_125 = arith.constant 1.000000e+00 : f32
    %sub3A_126 = vector.broadcast %sub3A_125 : f32 to vector<1024x1xf32>
    %sub3A_127 = arith.subf %sub3A_126, %mul3A_124 : vector<1024x1xf32>
    %mul3A_128 = arith.mulf %mul3A_38, %mul3A_39 : vector<1024x1xf32>
    %mul3A_129 = arith.mulf %cos3A_21, %mul3A_40 : vector<1024x1xf32>
    %sub3A_130 = arith.subf %mul3A_128, %mul3A_129 : vector<1024x1xf32>
    %mul3A_131 = arith.constant 2.000000e+00 : f32
    %mul3A_132 = vector.broadcast %mul3A_131 : f32 to vector<1024x1xf32>
    %mul3A_133 = arith.mulf %mul3A_132, %sub3A_130 : vector<1024x1xf32>
    %mul3A_134 = arith.mulf %mul3A_38, %mul3A_40 : vector<1024x1xf32>
    %mul3A_135 = arith.mulf %cos3A_21, %mul3A_39 : vector<1024x1xf32>
    %add3A_136 = arith.addf %mul3A_134, %mul3A_135 : vector<1024x1xf32>
    %mul3A_137 = arith.constant 2.000000e+00 : f32
    %mul3A_138 = vector.broadcast %mul3A_137 : f32 to vector<1024x1xf32>
    %mul3A_139 = arith.mulf %mul3A_138, %add3A_136 : vector<1024x1xf32>
    %mul3A_140 = arith.mulf %mul3A_38, %mul3A_39 : vector<1024x1xf32>
    %mul3A_141 = arith.mulf %cos3A_21, %mul3A_40 : vector<1024x1xf32>
    %add3A_142 = arith.addf %mul3A_140, %mul3A_141 : vector<1024x1xf32>
    %mul3A_143 = arith.constant 2.000000e+00 : f32
    %mul3A_144 = vector.broadcast %mul3A_143 : f32 to vector<1024x1xf32>
    %mul3A_145 = arith.mulf %mul3A_144, %add3A_142 : vector<1024x1xf32>
    %mul3A_146 = arith.mulf %mul3A_38, %mul3A_38 : vector<1024x1xf32>
    %mul3A_147 = arith.mulf %mul3A_40, %mul3A_40 : vector<1024x1xf32>
    %add3A_148 = arith.addf %mul3A_146, %mul3A_147 : vector<1024x1xf32>
    %mul3A_149 = arith.constant 2.000000e+00 : f32
    %mul3A_150 = vector.broadcast %mul3A_149 : f32 to vector<1024x1xf32>
    %mul3A_151 = arith.mulf %mul3A_150, %add3A_148 : vector<1024x1xf32>
    %sub3A_152 = arith.constant 1.000000e+00 : f32
    %sub3A_153 = vector.broadcast %sub3A_152 : f32 to vector<1024x1xf32>
    %sub3A_154 = arith.subf %sub3A_153, %mul3A_151 : vector<1024x1xf32>
    %mul3A_155 = arith.mulf %mul3A_39, %mul3A_40 : vector<1024x1xf32>
    %mul3A_156 = arith.mulf %cos3A_21, %mul3A_38 : vector<1024x1xf32>
    %sub3A_157 = arith.subf %mul3A_155, %mul3A_156 : vector<1024x1xf32>
    %mul3A_158 = arith.constant 2.000000e+00 : f32
    %mul3A_159 = vector.broadcast %mul3A_158 : f32 to vector<1024x1xf32>
    %mul3A_160 = arith.mulf %mul3A_159, %sub3A_157 : vector<1024x1xf32>
    %mul3A_161 = arith.mulf %mul3A_38, %mul3A_40 : vector<1024x1xf32>
    %mul3A_162 = arith.mulf %cos3A_21, %mul3A_39 : vector<1024x1xf32>
    %sub3A_163 = arith.subf %mul3A_161, %mul3A_162 : vector<1024x1xf32>
    %mul3A_164 = arith.constant 2.000000e+00 : f32
    %mul3A_165 = vector.broadcast %mul3A_164 : f32 to vector<1024x1xf32>
    %mul3A_166 = arith.mulf %mul3A_165, %sub3A_163 : vector<1024x1xf32>
    %mul3A_167 = arith.mulf %mul3A_39, %mul3A_40 : vector<1024x1xf32>
    %mul3A_168 = arith.mulf %cos3A_21, %mul3A_38 : vector<1024x1xf32>
    %add3A_169 = arith.addf %mul3A_167, %mul3A_168 : vector<1024x1xf32>
    %mul3A_170 = arith.constant 2.000000e+00 : f32
    %mul3A_171 = vector.broadcast %mul3A_170 : f32 to vector<1024x1xf32>
    %mul3A_172 = arith.mulf %mul3A_171, %add3A_169 : vector<1024x1xf32>
    %mul3A_173 = arith.mulf %mul3A_38, %mul3A_38 : vector<1024x1xf32>
    %mul3A_174 = arith.mulf %mul3A_39, %mul3A_39 : vector<1024x1xf32>
    %add3A_175 = arith.addf %mul3A_173, %mul3A_174 : vector<1024x1xf32>
    %mul3A_176 = arith.constant 2.000000e+00 : f32
    %mul3A_177 = vector.broadcast %mul3A_176 : f32 to vector<1024x1xf32>
    %mul3A_178 = arith.mulf %mul3A_177, %add3A_175 : vector<1024x1xf32>
    %sub3A_179 = arith.constant 1.000000e+00 : f32
    %sub3A_180 = vector.broadcast %sub3A_179 : f32 to vector<1024x1xf32>
    %sub3A_181 = arith.subf %sub3A_180, %mul3A_178 : vector<1024x1xf32>
    %slice3A_182 = vector.extract_strided_slice %get3A_55 {offsets = [0, 0], sizes = [1024, 1], strides = [1, 1]} : vector<1024x3xf32> to vector<1024x1xf32>
    %slice3A_183 = vector.extract_strided_slice %get3A_55 {offsets = [0, 1], sizes = [1024, 1], strides = [1, 1]} : vector<1024x3xf32> to vector<1024x1xf32>
    %slice3A_184 = vector.extract_strided_slice %get3A_55 {offsets = [0, 2], sizes = [1024, 1], strides = [1, 1]} : vector<1024x3xf32> to vector<1024x1xf32>
    %broadcast_in_dim3A_185 = arith.constant 0.000000e+00 : f32
    %broadcast_in_dim3A_186 = vector.broadcast %broadcast_in_dim3A_185 : f32 to vector<1024x11xf32>
    %concatenate3A = tpu.concatenate %sub3A_64, %mul3A_70, %mul3A_76, %mul3A_82, %sub3A_91, %mul3A_97, %mul3A_103, %mul3A_109, %sub3A_118, %sub3A_127, %mul3A_133, %mul3A_139, %mul3A_145, %sub3A_154, %mul3A_160, %mul3A_166, %mul3A_172, %sub3A_181, %slice3A_182, %slice3A_183, %slice3A_184, %broadcast_in_dim3A_186 in 1 : vector<1024x1xf32>, vector<1024x1xf32>, vector<1024x1xf32>, vector<1024x1xf32>, vector<1024x1xf32>, vector<1024x1xf32>, vector<1024x1xf32>, vector<1024x1xf32>, vector<1024x1xf32>, vector<1024x1xf32>, vector<1024x1xf32>, vector<1024x1xf32>, vector<1024x1xf32>, vector<1024x1xf32>, vector<1024x1xf32>, vector<1024x1xf32>, vector<1024x1xf32>, vector<1024x1xf32>, vector<1024x1xf32>, vector<1024x1xf32>, vector<1024x1xf32>, vector<1024x11xf32> -> vector<1024x32xf32>
    %swap3A = arith.constant 0 : index
    %swap3A_187 = arith.constant 0 : index
    %swap3A_188 = vector.load %arg3[%swap3A, %swap3A_187] : memref<1024x32xf32, #tpu.memory_space<vmem>>, vector<1024x32xf32>
    tpu.vector_store %arg3[%swap3A, %swap3A_187], %concatenate3A {strides = array<i32>} : memref<1024x32xf32, #tpu.memory_space<vmem>>, vector<1024x32xf32>,
    return
  }
}

</mosaic_0001>

<sc_bundles>
// kernel: kernel.4.cloned.1.call-start
scs
__scs_entry_jumppad:
0x0: {  	(pc) =	sbr.rel $0x88, $3  }
0x1: {  	(tag) =	ssettag $0x0;
	lr =	simm.s32 $0x1  }
0x2: {  	[smem:$0x3F94] =	sst lr;
	_ =	strace $0xD0000000  }
0x3: {  	_ = 	snop  }
0x4: {  	_ = 	snop  }
0x5: {  	_ = 	snop  }
0x6: {  	_ = 	snop  }
0x7: {  	_ = 	snop  }
__scs_overlays_trampoline_lowered:
0x8: {  	[smem:$0x3FA3] =	sst s0  }
0x9: {  	[smem:$0x3FA4] =	sst s1  }
0xa: {  	[smem:$0x3FA5] =	sst s2  }
0xb: {  	[smem:$0x3FA6] =	sst s3  }
0xc: {  	[smem:$0x3FA7] =	sst s4  }
0xd: {  	[smem:$0x3FA8] =	sst s5  }
0xe: {  	[smem:$0x3FA9] =	sst s6  }
0xf: {  	[smem:$0x3FAA] =	sst s7  }
0x10: {  	[smem:$0x3FAB] =	sst s8  }
0x11: {  	[smem:$0x3FAC] =	sst s9;
	s0 =	simm.s32 @!p0 $0x0  }
0x12: {  	s1 =	sld [smem:$0x3F92];
	s0 =	simm.s32 @p0 $0x1  }
0x13: {  	[smem:$0x3FAD] =	sst s0;
	s0 =	simm.s32 @!p1 $0x0  }
0x14: {  	s2 =	sld [smem:$0x3F91];
	s0 =	simm.s32 @p1 $0x1  }
0x15: {  	[smem:$0x3FAE] =	sst s0;
	s0 =	simm.s32 @!p2 $0x0  }
0x16: {  	s3 =	sld [smem:$0x3FDB];
	s0 =	simm.s32 @p2 $0x1  }
0x17: {  	s4 =	simm.s32 $0x1BF5;
	[smem:$0x3FB0] =	sst s0  }
0x18: {  	s0 =	sld [smem:$0x3F93];
	_ =	swait.ge [sflag:s4], $0x0  }
0x19: {  	s7 =	sld [smem:$0x3F94]  }
0x1a: {  	s8 =	sadd.s32 $0xFFFFE003, lr  }
0x1b: {  	s9 =	sadd.s32 $0xFFFFFEF7, lr;
	s5 =	simm.s32 $0xFFFFFFFF;
	p2 =	slt.u32 s8, $0xFFFFF086  }
0x1c: {  	p1 =	slt.u32 s9, $0xF7A;
	s5 =	simm.s32 @!p2 $0x0  }
0x1d: {  	s5 =	simm.s32 @p1 $0x1;
	p0 =	seq.s32 s7, s2  }
0x1e: {  	s7 =	smul.u32 @!p0 $0xF7A, s2;
	p2 =	seq.s32 @!p0 s5, $0x0  }
0x1f: {  	s9 =	smul.u32 $0xF7A, s1;
	s8 =	simm.s32 @!p0 $0x1BF5;
	p2 =	por !p2, p0  }
0x20: {  	[sflag:s8] =	ssyncset.s32 @!p0 $0xFFFFF086;
	s6 =	sadd.s32 @!p0 s3, s7;
	s7 =	simm.s32 @!p0 $0x108  }
0x21: {  	s3 =	sadd.s32 s3, s9;
	s6 =	sadd.s32 @!p0 $0x88, s6;
	s7 =	simm.s32 @p2 $0x1082  }
0x22: {  	[simem:s7], [sflag:s8] =	dma.local @!p0 [hbm:s6], $0xF7A  }
0x23: {  	s9 =	sor.u32 $0xD0000000, s2;
	s6 =	simm.s32 $0x108;
	_ =	swait.ge @!p0 [sflag:s8], $0x0  }
0x24: {  	s3 =	sadd.s32 $0x88, s3;
	s6 =	simm.s32 @!p1 $0x1082;
	[sflag:s4] =	ssyncset.s32 $0xFFFFF086  }
0x25: {  	[simem:s6], [sflag:s4] =	dma.local [hbm:s3], $0xF7A  }
0x26: {  	[smem:$0x3F94] =	sst s1;
	(tag) =	ssettag s2;
	_ =	strace s9  }
0x27: {  	s1 =	sld [smem:$0x3FA4]  }
0x28: {  	s2 =	sld [smem:$0x3FA5]  }
0x29: {  	s4 =	sld [smem:$0x3FA7]  }
0x2a: {  	p0 =	seq.s32 s5, $0x0;
	s5 =	sld [smem:$0x3FA8]  }
0x2b: {  	s6 =	sld [smem:$0x3FA9]  }
0x2c: {  	s7 =	sld [smem:$0x3FAA]  }
0x2d: {  	s3 =	simm.s32 $0x108;
	s8 =	sld [smem:$0x3FAB]  }
0x2e: {  	s3 =	simm.s32 @!p0 $0x1082;
	s9 =	sld [smem:$0x3FAC]  }
0x2f: {  	lr =	sadd.s32 s0, s3;
	s0 =	sld [smem:$0x3FA3]  }
0x30: {  	s3 =	sld [smem:$0x3FA6]  }
0x31: {  	[smem:$0x3FAF] =	sst s10  }
0x32: {  	s10 =	sld [smem:$0x3FAD];
	_ =	sdelay $0x3  }
0x33: {  	p0 =	seq.s32 s10, $0x1;
	s10 =	sld [smem:$0x3FAF];
	_ =	sdelay $0x3  }
0x34: {  	[smem:$0x3FAF] =	sst s10  }
0x35: {  	s10 =	sld [smem:$0x3FAE];
	_ =	sdelay $0x3  }
0x36: {  	p1 =	seq.s32 s10, $0x1;
	s10 =	sld [smem:$0x3FAF];
	_ =	sdelay $0x3  }
0x37: {  	[smem:$0x3FAF] =	sst s10  }
0x38: {  	s10 =	sld [smem:$0x3FB0]  }
0x39: {  	_ = 	snop;
	(pc) =	sbr.ind lr, $3  }
0x3a: {  	_ = 	snop  }
0x3b: {  	_ = 	snop  }
0x3c: {  	p2 =	seq.s32 s10, $0x1;
	s10 =	sld [smem:$0x3FAF]  }
0x3d: {  	_ =	shalt  }
0x3e: {  	_ =	shalt  }
0x3f: {  	_ =	shalt  }
0x40: {  	_ =	shalt  }
0x41: {  	_ =	shalt  }
0x42: {  	_ =	shalt  }
0x43: {  	_ =	shalt  }
0x44: {  	_ =	shalt  }
0x45: {  	_ =	shalt  }
0x46: {  	_ =	shalt  }
0x47: {  	_ =	shalt  }
0x48: {  	_ =	shalt  }
0x49: {  	_ =	shalt  }
0x4a: {  	_ =	shalt  }
0x4b: {  	_ =	shalt  }
0x4c: {  	_ =	shalt  }
0x4d: {  	_ =	shalt  }
0x4e: {  	_ =	shalt  }
0x4f: {  	_ =	shalt  }
0x50: {  	_ =	shalt  }
0x51: {  	_ =	shalt  }
0x52: {  	_ =	shalt  }
0x53: {  	_ =	shalt  }
0x54: {  	_ =	shalt  }
0x55: {  	_ =	shalt  }
0x56: {  	_ =	shalt  }
0x57: {  	_ =	shalt  }
0x58: {  	_ =	shalt  }
0x59: {  	_ =	shalt  }
0x5a: {  	_ =	shalt  }
0x5b: {  	_ =	shalt  }
0x5c: {  	_ =	shalt  }
0x5d: {  	_ =	shalt  }
0x5e: {  	_ =	shalt  }
0x5f: {  	_ =	shalt  }
0x60: {  	_ =	shalt  }
0x61: {  	_ =	shalt  }
0x62: {  	_ =	shalt  }
0x63: {  	_ =	shalt  }
0x64: {  	_ =	shalt  }
0x65: {  	_ =	shalt  }
0x66: {  	_ =	shalt  }
0x67: {  	_ =	shalt  }
0x68: {  	_ =	shalt  }
0x69: {  	_ =	shalt  }
0x6a: {  	_ =	shalt  }
0x6b: {  	_ =	shalt  }
0x6c: {  	_ =	shalt  }
0x6d: {  	_ =	shalt  }
0x6e: {  	_ =	shalt  }
0x6f: {  	_ =	shalt  }
0x70: {  	_ =	shalt  }
0x71: {  	_ =	shalt  }
0x72: {  	_ =	shalt  }
0x73: {  	_ =	shalt  }
0x74: {  	_ =	shalt  }
0x75: {  	_ =	shalt  }
0x76: {  	_ =	shalt  }
0x77: {  	_ =	shalt  }
0x78: {  	_ =	shalt  }
0x79: {  	_ =	shalt  }
0x7a: {  	_ =	shalt  }
0x7b: {  	_ =	shalt  }
0x7c: {  	_ =	shalt  }
0x7d: {  	_ =	shalt  }
0x7e: {  	_ =	shalt  }
0x7f: {  	_ =	shalt  }
0x80: {  	_ =	shalt  }
0x81: {  	_ =	shalt  }
0x82: {  	_ =	shalt  }
0x83: {  	_ =	shalt  }
0x84: {  	_ =	shalt  }
0x85: {  	_ =	shalt  }
0x86: {  	_ =	shalt  }
0x87: {  	_ =	shalt  }
.Lfunc_end0:
.L_simem_size_0:
called_computation_lowered:
.L_overlay_start_0:
0x88: {  	s2 =	sld [smem:$0x3FD9]  }
0x89: {  	s3 =	sld [smem:$0x3FFE];
	_ =	sdelay $0x1  }
0x8a: {  	s1 =	srdreg.scid  }
0x8b: {  	s0 =	sand.u32 $0x1, s1  }
0x8c: {  	s14 =	sshll.u32 s0, $0xA;
	s2 =	sadd.s32 s3, s2  }
0x8d: {  	s2 =	sadd.s32 s2, s14  }
0x8e: {  	[smem:$0x3FBB] =	sst s2  }
0x8f: {  	_ = 	snop  }
0x90: {  	s2 =	sld [smem:$0x3FD0];
	_ =	sdelay $0x1  }
0x91: {  	s15 =	sld [smem:$0x3FC6]  }
0x92: {  	s5 =	simm.s32 $0xA;
	s6 =	simm.s32 $0x10;
	s4 =	sld [smem:$0x3FBE]  }
0x93: {  	[smem:s6], [sflag:s5] =	dma.local [hbm:s2], $0x1  }
0x94: {  	_ =	swait.eq [sflag:s5], $0x1  }
0x95: {  	s16 =	sld [smem:$0x10];
	[sflag:s5] =	ssyncset.done $0x0  }
0x96: {  	s17 =	sld [smem:$0x11];
	[sflag:s5] =	ssyncadd.s32 $0xFFFFFFFF  }
0x97: {  	s18 =	sld [smem:$0x14];
	(tm) =	ssettm $0x1  }
0x98: {  	s7 =	sld [smem:$0x3FFB];
	_ =	sdelay $0x3  }
0x99: {  	_ =	strace s7  }
0x9a: {  	s7 =	sld [smem:$0x3FFC];
	_ =	sdelay $0x3  }
0x9b: {  	_ =	strace s7  }
0x9c: {  	s7 =	sld [smem:$0x3FFD];
	_ =	sdelay $0x3  }
0x9d: {  	_ =	strace s7  }
0x9e: {  	_ =	strace $0x8FFFFFFF  }
0x9f: {  	s19 =	sld [smem:$0x3FDB];
	_ =	sdelay $0x1  }
0xa0: {  	s8 =	simm.s32 $_scs_section_size  }
0xa1: {  	s9 =	simm.s32 $_size__tile_overlayer_lowered;
	s10 =	simm.s32 $_tile_overlayer_lowered  }
0xa2: {  	s22 =	simm.s32 $0x1BFF;
	s21 =	sshll.u32 s10, $0x1;
	s7 =	sadd.s32 s8, s19  }
0xa3: {  	s11 =	simm.s32 $0x0;
	s20 =	sshll.u32 s9, $0x1;
	s9 =	sadd.s32 s21, s7  }
0xa4: {  	[timem:s11], [sflag:s22] =	dma.local [hbm:s9], s20  }
0xa5: {  	_ =	swait.ge [sflag:s22], s20  }
0xa6: {  	s8 =	ssub.s32 $0x0, s20;
	[sflag:s22] =	ssyncset.done $0x0  }
0xa7: {  	[sflag:s22] =	ssyncadd.s32 s8;
	_ =	sdelay $0x1  }
0xa8: {  	s23 =	simm.s32 $0x1B8B  }
0xa9: {  	_ =	swait.ge [sflag:s23], $0x1  }
0xaa: {  	[sflag:s23] =	ssyncset.done $0x0  }
0xab: {  	s25 =	simm.s32 $0x1B8E;
	s24 =	sld [smem:$0x3FFE];
	[sflag:s23] =	ssyncadd.s32 $0xFFFFFFFF  }
0xac: {  	s26 =	simm.s32 $execute0_lowered;
	[smem:$0x3FD2] =	sst s25  }
0xad: {  	s9 =	sshll.u32 s26, $0x1;
	_ =	strace $0x80000046;
	[dreg:$0x1] =	wrdreg $0xFFFFFFFF  }
0xae: {  	s28 =	simm.s32 $_size_execute0_lowered;
	s7 =	sadd.s32 s7, s9;
	[dreg:$0x0] =	wrdreg $0x0  }
0xaf: {  	s9 =	sshll.u32 s28, $0x1;
	[dreg:$0x2] =	wrdreg s7  }
0xb0: {  	[dreg:$0x3] =	wrdreg s9  }
0xb1: {  	[dreg:$0x4] =	wrdreg $0xC0  }
0xb2: {  	_ =	task [dreg:s11], $0x5FFFF  }
0xb3: {  	[dreg:$0x1] =	wrdreg $0xFFFFFFFF  }
0xb4: {  	[dreg:$0x0] =	wrdreg $0x60  }
0xb5: {  	[dreg:$0x2] =	wrdreg s24  }
0xb6: {  	[dreg:$0x3] =	wrdreg s4  }
0xb7: {  	[dreg:$0x4] =	wrdreg s17  }
0xb8: {  	[dreg:$0x5] =	wrdreg s15  }
0xb9: {  	[dreg:$0x6] =	wrdreg s16  }
0xba: {  	[dreg:$0x7] =	wrdreg s18  }
0xbb: {  	[dreg:$0x8] =	wrdreg $0x9  }
0xbc: {  	_ =	task.clear_ibuf [dreg:s11], $0x9FFFF;
	_ =	strace $0x90000046  }
0xbd: {  	s29 =	simm.s32 $0x9;
	_ =	strace $0x80000048  }
0xbe: {  	_ =	swait.ge [sflag:s29], $0x1  }
0xbf: {  	[sflag:s29] =	ssyncadd.s32 $0xFFFFFFFF  }
0xc0: {  	_ =	strace $0x90000048  }
0xc1: {  	_ =	sfence  }
0xc2: {  	s30 =	sld [smem:$0x0];
	_ =	sdelay $0x2  }
0xc3: {  	s31 =	sshll.u32 s1, $0xD;
	s1 =	sshrl.u32 s1, $0x2  }
0xc4: {  	s3 =	sand.u32 $0x4000, s31;
	s1 =	sadd.s32 s1, s30  }
0xc5: {  	s0 =	sor.u32 s3, s0;
	s1 =	sshll.u32 s1, $0x11  }
0xc6: {  	s0 =	sor.u32 s1, s0  }
0xc7: {  	s0 =	sadd.s32 $0x8F2B, s0  }
0xc8: {  	[sflag:s0] =	ssyncadd.remote.s32 $0x1  }
0xc9: {  	_ =	sfence.sel $0xFFFF  }
0xca: {  	[dreg:$0x0] =	wrdreg $0xFFFFFFFF;
	(pc) =	sbr.abs _section_cstart, $3  }
0xcb: {  	[dreg:$0x1] =	wrdreg $0xFFFFFFFF  }
0xcc: {  	_ =	task.clear_ibuf [dreg:s11], $0x2FFFF;
	_ =	strace $0x9FFFFFFF  }
0xcd: {  	(tm) =	ssettm $0x7FFFFFFF  }
tec
execute0_lowered:
.L_overlay_start_1:
0x0: {  	(tag) =	ssettag $0x1  }
0x1: {  	s0 =	rddreg [dreg:$0x0]  }
0x2: {  	s12 =	rddreg [dreg:$0x1]  }
0x3: {  	s5 =	rddreg [dreg:$0x2]  }
0x4: {  	s6 =	rddreg [dreg:$0x3]  }
0x5: {  	s2 =	rddreg [dreg:$0x4]  }
0x6: {  	s1 =	rddreg [dreg:$0x5];
	s3 =	simm.s32 $0x0  }
0x7: {  	[smem:$0x7FF] =	sst s3;
	s4 =	sadd.s32 $0x3000, s0  }
0x8: {  	s18 =	sadd.s32 $0xBE800, s0;
	_ =	strace $0x80000047;
	[dreg:$0x7] =	wrdreg s4  }
0x9: {  	v0 =	vimm.s32 $0x3805;
	vm0 =	vcmask $0x300;
	vm3 =	vcmask $0x704;
	s21 =	sadd.s32 $0x3100, s0;
	[dreg:$0x8] =	wrdreg s18  }
0xa: {  	vm2 =	vcmask $0xB08;
	vm1 =	vcmask $0xF0C;
	v1 =	vimm.s32 $0x3806;
	s22 =	sadd.s32 $0x3200, s0;
	[dreg:$0xc] =	wrdreg s21  }
0xb: {  	v2 =	vimm.s32 $0x3807;
	v3 =	vimm.s32 $0x485F;
	v4 =	vimm.s32 $0xE05;
	s23 =	sadd.s32 $0x3300, s0;
	[dreg:$0xd] =	wrdreg s22  }
0xc: {  	v5 =	vimm.s32 $0xE06;
	v6 =	vimm.s32 $0xE07;
	v7 =	vimm.s32 $0x4C0D;
	s24 =	sadd.s32 $0x3400, s0;
	[dreg:$0xe] =	wrdreg s23  }
0xd: {  	v8 =	vimm.s32 $0x4C0E;
	v9 =	vimm.s32 $0x4C0F;
	v0 =	vsel vm0, $0x3470, v0;
	s25 =	sadd.s32 $0x3500, s0;
	[dreg:$0xf] =	wrdreg s24  }
0xe: {  	v1 =	vsel vm0, $0x3471, v1;
	v2 =	vsel vm0, $0x3472, v2;
	v3 =	vsel vm0, $0x4858, v3;
	s26 =	sadd.s32 $0x3600, s0;
	[dreg:$0x10] =	wrdreg s25  }
0xf: {  	v4 =	vsel vm0, $0xD70, v4;
	v5 =	vsel vm0, $0xD71, v5;
	v6 =	vsel vm0, $0xD72, v6;
	s14 =	sadd.s32 $0x3A00, s0;
	[dreg:$0x11] =	wrdreg s26  }
0x10: {  	v7 =	vsel vm0, $0x4860, v7;
	v8 =	vsel vm0, $0x4861, v8;
	v9 =	vsel vm0, $0x4862, v9;
	s15 =	sadd.s32 $0x3B00, s0;
	[dreg:$0x15] =	wrdreg s14  }
0x11: {  	vm0 =	vcmask $0x1310;
	s16 =	sadd.s32 $0x3C00, s0;
	v0 =	vsel vm3, $0x3473, v0;
	v1 =	vsel vm3, $0x3474, v1;
	[dreg:$0x16] =	wrdreg s15  }
0x12: {  	s17 =	sadd.s32 $0x3D00, s0;
	v2 =	vsel vm3, $0x3475, v2;
	v3 =	vsel vm3, $0x4859, v3;
	v4 =	vsel vm3, $0xD73, v4;
	[dreg:$0x17] =	wrdreg s16  }
0x13: {  	s19 =	srdreg.scid;
	v5 =	vsel vm3, $0xD74, v5;
	v6 =	vsel vm3, $0xD75, v6;
	v7 =	vsel vm3, $0x4863, v7;
	[dreg:$0x18] =	wrdreg s17;
	s18 =	sadd.s32 $0x3E00, s0  }
0x14: {  	s4 =	sand.u32 $0x1, s19;
	v8 =	vsel vm3, $0x4864, v8;
	v9 =	vsel vm3, $0x4865, v9;
	s19 =	sadd.s32 $0x3F00, s0;
	v0 =	vsel vm2, $0x3476, v0;
	[dreg:$0x19] =	wrdreg s18  }
0x15: {  	s21 =	sadd.s32 $0x4100, s0;
	v1 =	vsel vm2, $0x3477, v1;
	v2 =	vsel vm2, $0x3478, v2;
	v3 =	vsel vm2, $0x485A, v3;
	[dreg:$0x1a] =	wrdreg s19  }
0x16: {  	s22 =	sadd.s32 $0x4200, s0;
	v4 =	vsel vm2, $0xD76, v4;
	v5 =	vsel vm2, $0xD77, v5;
	v6 =	vsel vm2, $0xD78, v6;
	[dreg:$0x1c] =	wrdreg s21  }
0x17: {  	s23 =	sadd.s32 $0x4300, s0;
	v7 =	vsel vm2, $0x4866, v7;
	v8 =	vsel vm2, $0x4867, v8;
	v9 =	vsel vm2, $0x4868, v9;
	[dreg:$0x1d] =	wrdreg s22  }
0x18: {  	s24 =	sadd.s32 $0x4400, s0;
	vm2 =	vcmask $0x1714;
	[dreg:$0x1e] =	wrdreg s23;
	v0 =	vsel vm1, $0x3479, v0;
	v1 =	vsel vm1, $0x347A, v1  }
0x19: {  	s25 =	sadd.s32 $0x4500, s0;
	[dreg:$0x1f] =	wrdreg s24;
	v2 =	vsel vm1, $0x347B, v2;
	v3 =	vsel vm1, $0x485B, v3;
	v4 =	vsel vm1, $0xD79, v4  }
0x1a: {  	s26 =	sadd.s32 $0x4600, s0;
	[smem:$0x7EB] =	sst s25;
	v5 =	vsel vm1, $0xD7A, v5;
	v6 =	vsel vm1, $0xD7B, v6;
	v7 =	vsel vm1, $0x4869, v7  }
0x1b: {  	s14 =	sadd.s32 $0xBEB00, s0;
	[smem:$0x7EC] =	sst s26;
	v8 =	vsel vm1, $0x486A, v8;
	v9 =	vsel vm1, $0x486B, v9;
	vm1 =	vcmask $0x1B18  }
0x1c: {  	s9 =	stileid.u32;
	s15 =	sadd.s32 $0xBEC00, s0;
	[smem:$0x7F0] =	sst s14;
	v0 =	vsel vm0, $0x347C, v0;
	v1 =	vsel vm0, $0x347D, v1;
	v2 =	vsel vm0, $0x347E, v2  }
0x1d: {  	s28 =	simm.s32 $0x1100;
	s16 =	sadd.s32 $0xBED00, s0;
	[smem:$0x7F1] =	sst s15;
	v3 =	vsel vm0, $0x485C, v3;
	v4 =	vsel vm0, $0xD7C, v4;
	v7 =	vsel vm0, $0x486C, v7  }
0x1e: {  	s29 =	simm.s32 $0xD100;
	s17 =	sadd.s32 $0xBEE00, s0;
	[smem:$0x7F2] =	sst s16;
	v5 =	vsel vm0, $0xD7D, v5;
	v6 =	vsel vm0, $0xD7E, v6;
	v8 =	vsel vm0, $0x486D, v8  }
0x1f: {  	s30 =	simm.s32 $0x11100;
	[smem:$0x7F3] =	sst s17;
	s18 =	sadd.s32 $0xBEF00, s0;
	v9 =	vsel vm0, $0x486E, v9;
	vm0 =	vcmask $0x1F1C;
	v0 =	vsel vm2, $0x347F, v0  }
0x20: {  	s31 =	simm.s32 $0x1;
	s19 =	sadd.s32 $0xBF000, s0;
	[smem:$0x7F4] =	sst s18;
	v1 =	vsel vm2, $0x3800, v1;
	v2 =	vsel vm2, $0x3801, v2;
	v3 =	vsel vm2, $0x485D, v3  }
0x21: {  	s7 =	sadd.s32 $0x10CA00, s0;
	s22 =	sadd.s32 $0x100, s12;
	[smem:$0x7F5] =	sst s19;
	v4 =	vsel vm2, $0xD7F, v4;
	v7 =	vsel vm2, $0x486F, v7;
	v5 =	vsel vm2, $0xE00, v5  }
0x22: {  	s10 =	sshll.u32 s9, $0x6;
	s23 =	sadd.s32 $0x200, s12;
	[smem:$0x7F9] =	sst s22;
	v6 =	vsel vm2, $0xE01, v6;
	v8 =	vsel vm2, $0x4870, v8;
	v9 =	vsel vm2, $0x4871, v9  }
0x23: {  	s11 =	sshll.u32 s4, $0x5;
	s24 =	sadd.s32 $0x300, s12;
	[smem:$0x7FA] =	sst s23;
	vm2 =	vcmask $0x2320;
	v0 =	vsel vm1, $0x3802, v0;
	v1 =	vsel vm1, $0x3803, v1  }
0x24: {  	s4 =	ssub.s32 $0x2, s4;
	s25 =	sadd.s32 $0x400, s12;
	[smem:$0x7FB] =	sst s24;
	v2 =	vsel vm1, $0x3804, v2;
	v3 =	vsel vm1, $0x485E, v3;
	v7 =	vsel vm1, $0x4872, v7  }
0x25: {  	s26 =	sadd.s32 $0x500, s12;
	s10 =	sor.u32 s11, s10;
	[smem:$0x7FC] =	sst s25;
	v4 =	vsel vm1, $0xE02, v4;
	v5 =	vsel vm1, $0xE03, v5;
	v7 =	vsel vm0, $0x4875, v7  }
0x26: {  	s20 =	sshrl.u32 s4, $0x1;
	s11 =	sadd.s32 $0x3900, s0;
	[smem:$0x7FD] =	sst s26;
	v6 =	vsel vm1, $0xE04, v6;
	v10 =	vsel vm2, $0x4878, v7;
	v7 =	vsel vm1, $0x4873, v8  }
0x27: {  	s4 =	ssub.s32 s4, s20;
	[dreg:$0x14] =	wrdreg s11;
	s20 =	sadd.s32 $0x4000, s0;
	v8 =	vsel vm1, $0x4874, v9;
	vm1 =	vcmask $0x2724;
	v9 =	vsel vm0, $0x4876, v7  }
0x28: {  	s8 =	sadd.s32 $0x14CA00, s0;
	s11 =	sadd.s32 $0xBEA00, s0;
	[dreg:$0x1b] =	wrdreg s20;
	v8 =	vsel vm0, $0x4877, v8;
	v7 =	vlaneseq.u32;
	v10 =	vsel vm1, $0x487B, v10  }
0x29: {  	s9 =	sadd.s32 $0x148A00, s0;
	s13 =	sshrl.u32 s10, $0x3;
	[smem:$0x7EF] =	sst s11;
	vm0 =	vcmask $0x2B28;
	v9 =	vsel vm2, $0x4879, v9;
	v11 =	vsel vm2, $0x487A, v8  }
0x2a: {  	s10 =	sshll.u32 s10, $0x4;
	s6 =	sadd.s32 s6, s13;
	[dreg:$0x9] =	wrdreg s13;
	[tilespmem:$0x1FFD0] =	vst v0;
	v0 =	vand.u32 $0x7, v7;
	v12 =	vshrl.u32 v7, $0x3;
	v13 =	vsel vm0, $0x487E, v10  }
0x2b: {  	s24 =	sadd.s32 $0x600, s12;
	s5 =	sadd.s32 s5, s10;
	[dreg:$0xa] =	wrdreg s6;
	v14 =	vsel vm1, $0x487C, v9;
	v11 =	vsel vm1, $0x487D, v11;
	vm1 =	vcmask $0x2F2C  }
0x2c: {  	s25 =	sadd.s32 $0x700, s12;
	s10 =	sadd.s32 $0x3800, s0;
	[dreg:$0xb] =	wrdreg s5;
	v10 =	vmul.u32 $0x3, v7;
	[tilespmem:$0x1FFE0] =	vst v0;
	v0 =	vmul.u32 $0x8, v12;
	v12 =	vsel vm1, $0x4C01, v13  }
0x2d: {  	s26 =	simm.s32 $0x80;
	s20 =	sadd.s32 s1, s13;
	[dreg:$0x13] =	wrdreg s10;
	v13 =	vsel vm0, $0x487F, v14;
	v11 =	vsel vm0, $0x4C00, v11;
	vm0 =	vcmask $0x3330  }
0x2e: {  	s12 =	simm.s32 $0x1A100;
	s21 =	smax.u32 s4, $0x1;
	[smem:$0x7F7] =	sst s20;
	v12 =	vsel vm0, $0x4C04, v12;
	v13 =	vsel vm1, $0x4C02, v13;
	v11 =	vsel vm1, $0x4C03, v11  }
0x2f: {  	s1 =	simm.s32 $0x16100;
	s6 =	sadd.s32 $0x3700, s0;
	[smem:$0x7F8] =	sst s21;
	vm1 =	vcmask $0x3734;
	v13 =	vsel vm0, $0x4C05, v13;
	v14 =	vsel vm0, $0x4C06, v11  }
0x30: {  	s11 =	simm.s32 $0x1A000;
	s10 =	sadd.s32 $0xBE900, s0;
	[dreg:$0x12] =	wrdreg s6;
	vm0 =	vmmov $0xffff;
	v11 =	vadd.s32 $0x1, v10;
	v15 =	vsel vm1, $0x4C07, v12  }
0x31: {  	s5 =	simm.s32 $0x6;
	s6 =	sadd.s32 $0x4700, s0;
	[smem:$0x7EE] =	sst s10;
	v16 =	vsel vm1, $0x4C08, v13;
	v17 =	vsel vm1, $0x4C09, v14;
	vm1 =	vcmask $0x3B38  }
0x32: {  	s0 =	sadd.s32 $0xBF100, s0;
	s10 =	simm.s32 $0x0;
	[smem:$0x7ED] =	sst s6;
	v12 =	vadd.s32 $0x2, v10;
	v13 =	vadd.s32 $0x708, v7;
	v14 =	vsel vm1, $0x4C0A, v15  }
0x33: {  	[smem:$0x7F6] =	sst s0;
	s6 =	simm.s32 $0x19100;
	s0 =	simm.s32 $0x1080;
	[tilespmem:$0x1FFF0] =	vst v0;
	v15 =	vsel vm1, $0x4C0B, v16;
	v16 =	vsel vm1, $0x4C0C, v17;
	vm1 =	vmmov $0xff  }
.LBB2_1:
0x34: {  	[smem:$0x7EA] =	sst s10  }
0x35: {  	s4 =	rddreg [dreg:$0xa]  }
0x36: {  	[tilespmem:s3], [sflag:$0x6] =	stream.linear.gather [hbm4b:s4+s3], $0x20, $0x38;
	[tilespmem:$0x1A200] =	vst v63  }
0x37: {  	_ =	swait.ge [sflag:s5], $0x20  }
0x38: {  	[sflag:s5] =	ssyncset.done $0x0  }
0x39: {  	s23 =	rddreg [dreg:$0xb];
	[sflag:s5] =	ssyncadd.s32 $0xFFFFFFE0  }
0x3a: {  	[tilespmem:s26], [sflag:$0x6] =	stream.linear.gather [hbm4b:s23+s3], $0x1000, $0x38;
	[tilespmem:$0x1A200] =	vst v63  }
0x3b: {  	_ =	swait.ge [sflag:s5], $0x1000  }
0x3c: {  	[sflag:s5] =	ssyncset.done $0x0  }
0x3d: {  	s4 =	simm.s32 $0x0;
	[sflag:s5] =	ssyncadd.s32 $0xFFFFF000  }
.LBB2_2:
0x3e: {  	s5 =	sshll.u32 s4, $0x3  }
0x3f: {  	v17 =	vld.msk [tilespmem:s5+$0x0], $0xff;
	_ =	sdelay $0x3  }
0x40: {  	v0 =	vld [tilespmem:$0x1FFE0]  }
0x41: {  	v18 =	vshrl.u32 v17, $0x3  }
0x42: {  	v8 =	vld [tilespmem:$0x1FFF0];
	v18 =	vmul.u32 $0x180, v18  }
0x43: {  	v17 =	vand.u32 $0x7, v17  }
0x44: {  	v17 =	vor.u32 v17, v18  }
0x45: {  	v17 =	vperm.xlane v17, v0;
	_ =	sdelay $0x1  }
0x46: {  	v17 =	vadd.s32 v8, v17;
	_ =	sdelay $0x2  }
0x47: {  	s13 =	rddreg [dreg:$0x7]  }
0x48: {  	s10 =	simm.s32 $0x0;
	s23 =	rddreg [dreg:$0xc]  }
0x49: {  	[tilespmem:s28], [sflag:$0x1] =	stream.indirect_vreg.gather [hbm4b:s13+s10], $0x80, v17, vm0, $0xb8;
	[tilespmem:$0x1A200] =	vst v63  }
0x4a: {  	s14 =	simm.s32 $0x1900;
	s16 =	rddreg [dreg:$0xe]  }
0x4b: {  	[tilespmem:s14], [sflag:$0x1] =	stream.indirect_vreg.gather [hbm4b:s23+s10], $0x80, v17, vm0, $0xb8;
	[tilespmem:$0x1A200] =	vst v63  }
0x4c: {  	s15 =	simm.s32 $0x2100;
	s14 =	rddreg [dreg:$0xd]  }
0x4d: {  	[tilespmem:s15], [sflag:$0x1] =	stream.indirect_vreg.gather [hbm4b:s14+s10], $0x80, v17, vm0, $0xb8;
	[tilespmem:$0x1A200] =	vst v63  }
0x4e: {  	s17 =	simm.s32 $0x2900;
	s18 =	rddreg [dreg:$0xf]  }
0x4f: {  	[tilespmem:s17], [sflag:$0x1] =	stream.indirect_vreg.gather [hbm4b:s16+s10], $0x80, v17, vm0, $0xb8;
	[tilespmem:$0x1A200] =	vst v63  }
0x50: {  	s19 =	simm.s32 $0x3100;
	s20 =	rddreg [dreg:$0x10]  }
0x51: {  	[tilespmem:s19], [sflag:$0x1] =	stream.indirect_vreg.gather [hbm4b:s18+s10], $0x80, v17, vm0, $0xb8;
	[tilespmem:$0x1A200] =	vst v63  }
0x52: {  	s21 =	simm.s32 $0x3900;
	s22 =	rddreg [dreg:$0x11]  }
0x53: {  	[tilespmem:s21], [sflag:$0x1] =	stream.indirect_vreg.gather [hbm4b:s20+s10], $0x80, v17, vm0, $0xb8;
	[tilespmem:$0x1A200] =	vst v63  }
0x54: {  	s23 =	simm.s32 $0x4100;
	s14 =	rddreg [dreg:$0x12]  }
0x55: {  	[tilespmem:s23], [sflag:$0x1] =	stream.indirect_vreg.gather [hbm4b:s22+s10], $0x80, v17, vm0, $0xb8;
	[tilespmem:$0x1A200] =	vst v63  }
0x56: {  	s15 =	simm.s32 $0x4900;
	s16 =	rddreg [dreg:$0x13]  }
0x57: {  	[tilespmem:s15], [sflag:$0x1] =	stream.indirect_vreg.gather [hbm4b:s14+s10], $0x80, v17, vm0, $0xb8;
	[tilespmem:$0x1A200] =	vst v63  }
0x58: {  	s17 =	simm.s32 $0x5100;
	s18 =	rddreg [dreg:$0x14]  }
0x59: {  	[tilespmem:s17], [sflag:$0x1] =	stream.indirect_vreg.gather [hbm4b:s16+s10], $0x80, v17, vm0, $0xb8;
	[tilespmem:$0x1A200] =	vst v63  }
0x5a: {  	s19 =	simm.s32 $0x5900;
	s20 =	rddreg [dreg:$0x15]  }
0x5b: {  	[tilespmem:s19], [sflag:$0x1] =	stream.indirect_vreg.gather [hbm4b:s18+s10], $0x80, v17, vm0, $0xb8;
	[tilespmem:$0x1A200] =	vst v63  }
0x5c: {  	s21 =	simm.s32 $0x6100;
	s22 =	rddreg [dreg:$0x16]  }
0x5d: {  	[tilespmem:s21], [sflag:$0x1] =	stream.indirect_vreg.gather [hbm4b:s20+s10], $0x80, v17, vm0, $0xb8;
	[tilespmem:$0x1A200] =	vst v63  }
0x5e: {  	s23 =	simm.s32 $0x6900;
	s14 =	rddreg [dreg:$0x17]  }
0x5f: {  	[tilespmem:s23], [sflag:$0x1] =	stream.indirect_vreg.gather [hbm4b:s22+s10], $0x80, v17, vm0, $0xb8;
	[tilespmem:$0x1A200] =	vst v63  }
0x60: {  	s15 =	simm.s32 $0x7100;
	s16 =	rddreg [dreg:$0x18]  }
0x61: {  	[tilespmem:s15], [sflag:$0x1] =	stream.indirect_vreg.gather [hbm4b:s14+s10], $0x80, v17, vm0, $0xb8;
	[tilespmem:$0x1A200] =	vst v63  }
0x62: {  	s17 =	simm.s32 $0x7900;
	s18 =	rddreg [dreg:$0x19]  }
0x63: {  	[tilespmem:s17], [sflag:$0x1] =	stream.indirect_vreg.gather [hbm4b:s16+s10], $0x80, v17, vm0, $0xb8;
	[tilespmem:$0x1A200] =	vst v63  }
0x64: {  	s19 =	simm.s32 $0x8100;
	s20 =	rddreg [dreg:$0x1a]  }
0x65: {  	[tilespmem:s19], [sflag:$0x1] =	stream.indirect_vreg.gather [hbm4b:s18+s10], $0x80, v17, vm0, $0xb8;
	[tilespmem:$0x1A200] =	vst v63  }
0x66: {  	s21 =	simm.s32 $0x8900;
	s22 =	rddreg [dreg:$0x1b]  }
0x67: {  	[tilespmem:s21], [sflag:$0x1] =	stream.indirect_vreg.gather [hbm4b:s20+s10], $0x80, v17, vm0, $0xb8;
	[tilespmem:$0x1A200] =	vst v63  }
0x68: {  	s23 =	simm.s32 $0x9100;
	s14 =	rddreg [dreg:$0x1c]  }
0x69: {  	[tilespmem:s23], [sflag:$0x1] =	stream.indirect_vreg.gather [hbm4b:s22+s10], $0x80, v17, vm0, $0xb8;
	[tilespmem:$0x1A200] =	vst v63  }
0x6a: {  	s15 =	simm.s32 $0x9900;
	s16 =	rddreg [dreg:$0x1d]  }
0x6b: {  	[tilespmem:s15], [sflag:$0x1] =	stream.indirect_vreg.gather [hbm4b:s14+s10], $0x80, v17, vm0, $0xb8;
	[tilespmem:$0x1A200] =	vst v63  }
0x6c: {  	s17 =	simm.s32 $0xA100;
	s18 =	rddreg [dreg:$0x1e]  }
0x6d: {  	[tilespmem:s17], [sflag:$0x1] =	stream.indirect_vreg.gather [hbm4b:s16+s10], $0x80, v17, vm0, $0xb8;
	[tilespmem:$0x1A200] =	vst v63  }
0x6e: {  	s19 =	simm.s32 $0xA900;
	s20 =	rddreg [dreg:$0x1f]  }
0x6f: {  	[tilespmem:s19], [sflag:$0x1] =	stream.indirect_vreg.gather [hbm4b:s18+s10], $0x80, v17, vm0, $0xb8;
	[tilespmem:$0x1A200] =	vst v63  }
0x70: {  	s21 =	simm.s32 $0xB100;
	s22 =	sld [smem:$0x7EB]  }
0x71: {  	[tilespmem:s21], [sflag:$0x1] =	stream.indirect_vreg.gather [hbm4b:s20+s10], $0x80, v17, vm0, $0xb8;
	[tilespmem:$0x1A200] =	vst v63  }
0x72: {  	s23 =	simm.s32 $0xB900;
	s15 =	sld [smem:$0x7EC]  }
0x73: {  	[tilespmem:s23], [sflag:$0x1] =	stream.indirect_vreg.gather [hbm4b:s22+s10], $0x80, v17, vm0, $0xb8;
	[tilespmem:$0x1A200] =	vst v63  }
0x74: {  	s16 =	simm.s32 $0xC100;
	s17 =	sld [smem:$0x7ED]  }
0x75: {  	[tilespmem:s16], [sflag:$0x1] =	stream.indirect_vreg.gather [hbm4b:s15+s10], $0x80, v17, vm0, $0xb8;
	[tilespmem:$0x1A200] =	vst v63  }
0x76: {  	s18 =	simm.s32 $0xC900  }
0x77: {  	[tilespmem:s18], [sflag:$0x1] =	stream.indirect_vreg.gather [hbm4b:s17+s10], $0x80, v17, vm0, $0xb8;
	[tilespmem:$0x1A200] =	vst v63  }
0x78: {  	v17 =	vld.msk [tilespmem:s5+$0x0], $0xff;
	_ =	sdelay $0x4  }
0x79: {  	v18 =	vshll.u32 v17, $0x4  }
0x7a: {  	v17 =	vand.u32 $0x7, v17;
	v18 =	vand.u32 $0xFFFFFF80, v18  }
0x7b: {  	v17 =	vor.u32 v17, v18  }
0x7c: {  	v17 =	vperm.xlane v17, v0;
	_ =	sdelay $0x1  }
0x7d: {  	v17 =	vadd.s32 v8, v17;
	_ =	sdelay $0x2  }
0x7e: {  	s19 =	rddreg [dreg:$0x1]  }
0x7f: {  	s20 =	sld [smem:$0x7F9]  }
0x80: {  	[tilespmem:s29], [sflag:$0x1] =	stream.indirect_vreg.gather [hbm4b:s19+s10], $0x80, v17, vm0, $0xb8;
	[tilespmem:$0x1A200] =	vst v63  }
0x81: {  	s21 =	simm.s32 $0xD900;
	s22 =	sld [smem:$0x7FA]  }
0x82: {  	[tilespmem:s21], [sflag:$0x1] =	stream.indirect_vreg.gather [hbm4b:s20+s10], $0x80, v17, vm0, $0xb8;
	[tilespmem:$0x1A200] =	vst v63  }
0x83: {  	s23 =	simm.s32 $0xE100;
	s15 =	sld [smem:$0x7FB]  }
0x84: {  	[tilespmem:s23], [sflag:$0x1] =	stream.indirect_vreg.gather [hbm4b:s22+s10], $0x80, v17, vm0, $0xb8;
	[tilespmem:$0x1A200] =	vst v63  }
0x85: {  	s16 =	simm.s32 $0xE900;
	s17 =	sld [smem:$0x7FC]  }
0x86: {  	[tilespmem:s16], [sflag:$0x1] =	stream.indirect_vreg.gather [hbm4b:s15+s10], $0x80, v17, vm0, $0xb8;
	[tilespmem:$0x1A200] =	vst v63  }
0x87: {  	s18 =	simm.s32 $0xF100;
	s19 =	sld [smem:$0x7FD]  }
0x88: {  	[tilespmem:s18], [sflag:$0x1] =	stream.indirect_vreg.gather [hbm4b:s17+s10], $0x80, v17, vm0, $0xb8;
	[tilespmem:$0x1A200] =	vst v63  }
0x89: {  	s20 =	simm.s32 $0xF900  }
0x8a: {  	[tilespmem:s20], [sflag:$0x1] =	stream.indirect_vreg.gather [hbm4b:s19+s10], $0x80, v17, vm0, $0xb8;
	[tilespmem:$0x1A200] =	vst v63  }
0x8b: {  	s21 =	simm.s32 $0x10100  }
0x8c: {  	[tilespmem:s21], [sflag:$0x1] =	stream.indirect_vreg.gather [hbm4b:s24+s10], $0x80, v17, vm0, $0xb8;
	[tilespmem:$0x1A200] =	vst v63  }
0x8d: {  	s22 =	simm.s32 $0x10900  }
0x8e: {  	[tilespmem:s22], [sflag:$0x1] =	stream.indirect_vreg.gather [hbm4b:s25+s10], $0x80, v17, vm0, $0xb8;
	[tilespmem:$0x1A200] =	vst v63  }
0x8f: {  	v17 =	vld.msk [tilespmem:s5+$0x0], $0xff;
	_ =	sdelay $0x4  }
0x90: {  	v18 =	vshrl.u32 v17, $0x3  }
0x91: {  	v18 =	vmul.u32 $0xA0, v18  }
0x92: {  	v17 =	vand.u32 $0x7, v17  }
0x93: {  	v17 =	vor.u32 v17, v18  }
0x94: {  	v17 =	vperm.xlane v17, v0;
	_ =	sdelay $0x1  }
0x95: {  	v17 =	vadd.s32 v8, v17;
	_ =	sdelay $0x2  }
0x96: {  	s14 =	sld [smem:$0x7EE]  }
0x97: {  	s23 =	rddreg [dreg:$0x8]  }
0x98: {  	[tilespmem:s30], [sflag:$0x1] =	stream.indirect_vreg.gather [hbm4b:s23+s10], $0x80, v17, vm0, $0xb8;
	[tilespmem:$0x1A200] =	vst v63  }
0x99: {  	s15 =	simm.s32 $0x11900;
	s16 =	sld [smem:$0x7EF]  }
0x9a: {  	[tilespmem:s15], [sflag:$0x1] =	stream.indirect_vreg.gather [hbm4b:s14+s10], $0x80, v17, vm0, $0xb8;
	[tilespmem:$0x1A200] =	vst v63  }
0x9b: {  	s17 =	simm.s32 $0x12100;
	s18 =	sld [smem:$0x7F0]  }
0x9c: {  	[tilespmem:s17], [sflag:$0x1] =	stream.indirect_vreg.gather [hbm4b:s16+s10], $0x80, v17, vm0, $0xb8;
	[tilespmem:$0x1A200] =	vst v63  }
0x9d: {  	s19 =	simm.s32 $0x12900;
	s20 =	sld [smem:$0x7F1]  }
0x9e: {  	[tilespmem:s19], [sflag:$0x1] =	stream.indirect_vreg.gather [hbm4b:s18+s10], $0x80, v17, vm0, $0xb8;
	[tilespmem:$0x1A200] =	vst v63  }
0x9f: {  	s21 =	simm.s32 $0x13100;
	s22 =	sld [smem:$0x7F2]  }
0xa0: {  	[tilespmem:s21], [sflag:$0x1] =	stream.indirect_vreg.gather [hbm4b:s20+s10], $0x80, v17, vm0, $0xb8;
	[tilespmem:$0x1A200] =	vst v63  }
0xa1: {  	s23 =	simm.s32 $0x13900;
	s15 =	sld [smem:$0x7F3]  }
0xa2: {  	[tilespmem:s23], [sflag:$0x1] =	stream.indirect_vreg.gather [hbm4b:s22+s10], $0x80, v17, vm0, $0xb8;
	[tilespmem:$0x1A200] =	vst v63  }
0xa3: {  	s16 =	simm.s32 $0x14100;
	s17 =	sld [smem:$0x7F4]  }
0xa4: {  	[tilespmem:s16], [sflag:$0x1] =	stream.indirect_vreg.gather [hbm4b:s15+s10], $0x80, v17, vm0, $0xb8;
	[tilespmem:$0x1A200] =	vst v63  }
0xa5: {  	s18 =	simm.s32 $0x14900;
	s19 =	sld [smem:$0x7F5]  }
0xa6: {  	[tilespmem:s18], [sflag:$0x1] =	stream.indirect_vreg.gather [hbm4b:s17+s10], $0x80, v17, vm0, $0xb8;
	[tilespmem:$0x1A200] =	vst v63  }
0xa7: {  	s20 =	simm.s32 $0x15100;
	s21 =	sld [smem:$0x7F6]  }
0xa8: {  	[tilespmem:s20], [sflag:$0x1] =	stream.indirect_vreg.gather [hbm4b:s19+s10], $0x80, v17, vm0, $0xb8;
	[tilespmem:$0x1A200] =	vst v63  }
0xa9: {  	s22 =	simm.s32 $0x15900  }
0xaa: {  	[tilespmem:s22], [sflag:$0x1] =	stream.indirect_vreg.gather [hbm4b:s21+s10], $0x80, v17, vm0, $0xb8;
	[tilespmem:$0x1A200] =	vst v63  }
0xab: {  	_ =	swait.ge [sflag:s31], $0xC000  }
0xac: {  	[sflag:s31] =	ssyncset.done $0x0  }
0xad: {  	[sflag:s31] =	ssyncadd.s32 $0xFFFF4000  }
0xae: {  	_ =	swait.ge [sflag:s31], $0x4000  }
0xaf: {  	[sflag:s31] =	ssyncset.done $0x0  }
0xb0: {  	[sflag:s31] =	ssyncadd.s32 $0xFFFFC000  }
0xb1: {  	_ =	swait.ge [sflag:s31], $0x5000  }
0xb2: {  	s23 =	rddreg [dreg:$0x9]  }
0xb3: {  	p0 =	por $0x0, $0x0;
	s15 =	sor.u32 s23, s4  }
0xb4: {  	s16 =	simm.s32 $0x0;
	[sflag:s31] =	ssyncset.done $0x0;
	s13 =	smul.u32 $0xC000, s15  }
0xb5: {  	[sflag:s31] =	ssyncadd.s32 $0xFFFFB000;
	s14 =	smul.u32 $0x3C00, s15;
	s15 =	sshll.u32 s15, $0xA  }
.LBB2_3:
0xb6: {  	s17 =	sor.u32 s5, s16  }
0xb7: {  	p1 =	slt.u32 s17, $0x2  }
0xb8: {  	s18 =	simm.s32 @!p1 $0x2  }
0xb9: {  	_ =	swait.ge @!p1 [sflag:s18], $0x1800  }
0xba: {  	[sflag:s18] =	ssyncset.done @!p1 $0x0  }
0xbb: {  	[sflag:s18] =	ssyncadd.s32 @!p1 $0xFFFFE800;
	s18 =	simm.s32 @!p1 $0x3  }
0xbc: {  	_ =	swait.ge @!p1 [sflag:s18], $0x780  }
0xbd: {  	[sflag:s18] =	ssyncset.done @!p1 $0x0  }
0xbe: {  	[sflag:s18] =	ssyncadd.s32 @!p1 $0xFFFFF880;
	s18 =	simm.s32 @!p1 $0x4  }
0xbf: {  	v17 =	vmov s17;
	_ =	swait.ge @!p1 [sflag:s18], $0x80  }
0xc0: {  	v18 =	vmov s16;
	v19 =	vshll.u32 v17, $0x7;
	[sflag:s18] =	ssyncset.done @!p1 $0x0  }
0xc1: {  	v41 =	vadd.s32 s10, v12;
	v42 =	vadd.s32 s10, v11;
	v22 =	vor.u32 $0x1, v19;
	[sflag:s18] =	ssyncadd.s32 @!p1 $0xFFFFFF80;
	s18 =	simm.s32 @!p1 $0x5  }
0xc2: {  	v18 =	vshll.u32 v18, $0x7;
	v53 =	vand.u32 $0x7F, v42;
	v23 =	vor.u32 $0x2, v19;
	_ =	swait.ge @!p1 [sflag:s18], $0x80  }
0xc3: {  	s23 =	simm.s32 $0x10;
	v49 =	vshrl.u32 v41, $0x7;
	v56 =	vshrl.u32 v42, $0x7;
	v25 =	vor.u32 $0x3, v19;
	[sflag:s18] =	ssyncset.done @!p1 $0x0  }
0xc4: {  	s17 =	sand.u32 $0x1, s16;
	v57 =	vand.u32 $0x7F, v41;
	v60 =	vor.u32 s23, v7;
	v27 =	vor.u32 $0x4, v19;
	[sflag:s18] =	ssyncadd.s32 @!p1 $0xFFFFFF80  }
0xc5: {  	v21 =	vmov s17;
	v18 =	vbroadcast v18, $0x0;
	v29 =	vor.u32 $0x5, v19;
	v20 =	vld.idx.msk [tilespmem:v19+s26+$0x0], $0xffff  }
0xc6: {  	v30 =	vor.u32 $0x6, v19;
	v31 =	vor.u32 $0x7, v19;
	v36 =	vor.u32 $0x8, v19;
	v22 =	vld.idx.msk [tilespmem:v22+s26+$0x0], $0xffff  }
0xc7: {  	v34 =	vor.u32 $0x9, v19;
	v35 =	vor.u32 $0xA, v19;
	v37 =	vor.u32 $0xB, v19;
	v24 =	vld.idx.msk [tilespmem:v23+s26+$0x0], $0xffff  }
0xc8: {  	v38 =	vor.u32 $0xC, v19;
	v39 =	vor.u32 $0xD, v19;
	v40 =	vor.u32 $0xE, v19;
	v26 =	vld.idx.msk [tilespmem:v25+s26+$0x0], $0xffff  }
0xc9: {  	v44 =	vor.u32 $0xF, v19;
	v47 =	vor.u32 $0x10, v19;
	v50 =	vor.u32 $0x11, v19;
	v28 =	vld.idx.msk [tilespmem:v27+s26+$0x0], $0xffff  }
0xca: {  	v51 =	vor.u32 $0x12, v19;
	v52 =	vor.u32 $0x13, v19;
	v55 =	vor.u32 $0x14, v19;
	v27 =	vld.idx.msk [tilespmem:v29+s26+$0x0], $0xffff  }
0xcb: {  	v19 =	vshll.u32 v21, $0x7;
	v21 =	vor.u32 s10, v7;
	v23 =	vmov s10;
	v32 =	vld.idx.msk [tilespmem:v30+s26+$0x0], $0xffff  }
0xcc: {  	v33 =	vld.idx.msk [tilespmem:v31+s26+$0x0], $0xffff;
	v31 =	vshll.u32 v49, $0xA;
	v29 =	vand.u32 $0x7F, v21;
	v21 =	vshll.u32 v23, $0x3  }
0xcd: {  	v25 =	vadd.s32 s10, v10;
	v31 =	vadd.s32 v18, v31;
	v23 =	vand.u32 $0x3C00, v21;
	v21 =	vld.idx.msk [tilespmem:v34+s26+$0x0], $0xffff  }
0xce: {  	v54 =	vshrl.u32 v25, $0x7;
	v58 =	vor.u32 v57, v31;
	v31 =	vld.idx.msk [tilespmem:v39+s26+$0x0], $0xffff;
	v29 =	vor.u32 v23, v29  }
0xcf: {  	s19 =	simm.s32 $0x30;
	v48 =	vand.u32 $0x7F, v25;
	v25 =	vshll.u32 v54, $0xA;
	v34 =	vld.idx.msk [tilespmem:v44+s26+$0x0], $0xffff;
	v63 =	vor.u32 v18, v29  }
0xd0: {  	v61 =	vmov s23;
	v45 =	vadd.s32 s19, v10;
	v23 =	vld.idx.msk [tilespmem:v35+s26+$0x0], $0xffff;
	v62 =	vadd.s32 v18, v25  }
0xd1: {  	v46 =	vadd.s32 s19, v12;
	v30 =	vshll.u32 v56, $0xA;
	v25 =	vld.idx.msk [tilespmem:v37+s26+$0x0], $0xffff;
	v37 =	vor.u32 v48, v62  }
0xd2: {  	v59 =	vand.u32 $0x7F, v60;
	v41 =	vand.u32 $0x7F, v45;
	v30 =	vadd.s32 v18, v30;
	v29 =	vld.idx.msk [tilespmem:v38+s26+$0x0], $0xffff  }
0xd3: {  	v43 =	vshrl.u32 v46, $0x7;
	v39 =	vshll.u32 v61, $0x3;
	v38 =	vor.u32 v53, v30;
	v30 =	vld.idx.msk [tilespmem:v40+s26+$0x0], $0xffff  }
0xd4: {  	v49 =	vshll.u32 v49, $0x8;
	v19 =	vbroadcast v19, $0x0;
	v35 =	vand.u32 $0x3C00, v39;
	v60 =	vld.idx.msk [tilespmem:v63+s29+$0x0], $0xffff  }
0xd5: {  	v44 =	vshrl.u32 v45, $0x7;
	v40 =	vadd.s32 s19, v11;
	v59 =	vor.u32 v35, v59;
	v35 =	vld.idx.msk [tilespmem:v47+s26+$0x0], $0xffff  }
0xd6: {  	v61 =	vshll.u32 v43, $0xA;
	v42 =	vand.u32 $0x7F, v40;
	v45 =	vshrl.u32 v40, $0x7;
	v39 =	vld.idx.msk [tilespmem:v37+s28+$0x0], $0xffff  }
0xd7: {  	v40 =	vshll.u32 v56, $0x8;
	v56 =	vshll.u32 v44, $0xA;
	v37 =	vshll.u32 v54, $0x8;
	v54 =	vld.idx.msk [tilespmem:v58+s28+$0x0], $0xffff  }
0xd8: {  	v47 =	vadd.s32 v18, v61;
	v56 =	vadd.s32 v18, v56;
	v62 =	vld.idx.msk [tilespmem:v38+s28+$0x0], $0xffff;
	v38 =	vor.u32 v19, v40  }
0xd9: {  	v37 =	vor.u32 v19, v37;
	vm2 =	veq.s32 v60, $0x1;
	v60 =	vor.u32 v19, v49  }
0xda: {  	v40 =	vld.idx.msk [tilespmem:v36+s26+$0x0], $0xffff;
	v49 =	vor.u32 v48, v37;
	v48 =	vor.u32 v53, v38;
	v61 =	vsel vm2, v24, v25  }
0xdb: {  	v36 =	vld.idx.msk [tilespmem:v50+s26+$0x0], $0xffff;
	v37 =	vsel vm2, v20, v21;
	v38 =	vsel vm2, v22, v23;
	v50 =	vsel vm2, v27, v30  }
0xdc: {  	v53 =	vsel vm2, v26, v29;
	v63 =	vsel vm2, v28, v31;
	v61 =	vmul.f32 v61, v54  }
0xdd: {  	v8 =	vsel vm2, v32, v34;
	v9 =	vmul.f32 v37, v39;
	v0 =	vmul.f32 v38, v62  }
0xde: {  	v37 =	vld.idx.msk [tilespmem:v51+s26+$0x0], $0xffff;
	v51 =	vsel vm2, v33, v35;
	v53 =	vmul.f32 v53, v39;
	v63 =	vmul.f32 v63, v62  }
0xdf: {  	v38 =	vld.idx.msk [tilespmem:v52+s26+$0x0], $0xffff;
	v8 =	vmul.f32 v8, v39;
	v0 =	vadd.f32 v0, v9;
	v9 =	vmul.f32 v51, v62  }
0xe0: {  	v50 =	vmul.f32 v50, v54;
	v39 =	vld.idx.msk [tilespmem:v55+s26+$0x0], $0xffff;
	v62 =	vsel vm2, v40, v36;
	v63 =	vadd.f32 v63, v53  }
0xe1: {  	s18 =	simm.s32 $0x1;
	v0 =	vadd.f32 v0, v61;
	v8 =	vadd.f32 v9, v8;
	v9 =	vmul.f32 v62, v54  }
0xe2: {  	s18 =	simm.s32 @!p0 $0x0;
	v58 =	vshll.u32 v45, $0xA;
	v51 =	vor.u32 v57, v60;
	v61 =	vadd.f32 v63, v50  }
0xe3: {  	s18 =	sshll.u32 s18, $0x7;
	v50 =	vor.u32 v41, v56;
	v53 =	vadd.f32 v0, v37;
	v54 =	vadd.f32 v8, v9  }
0xe4: {  	s20 =	simm.s32 $0x20;
	s18 =	sor.u32 $0x16100, s18;
	v52 =	vor.u32 v18, v59;
	v56 =	vadd.s32 v18, v58;
	v55 =	vadd.f32 v61, v38  }
.LBB2_4:
0xe5: {  	p1 =	sne.s32 s20, $0x7F0;
	v0 =	vor.u32 v42, v56;
	v8 =	vand.u32 $0x7F, v46;
	v9 =	vadd.f32 v54, v39;
	[tilespmem:v49+s1+$0x0] =	vst.idx.msk $0xffff, v53  }
0xe6: {  	v47 =	vor.u32 v8, v47;
	[tilespmem:v48+s1+$0x0] =	vst.idx.msk $0xffff, v55  }
0xe7: {  	s19 =	sadd.s32 $0x30, s19;
	v48 =	vor.u32 s20, v7;
	[tilespmem:v51+s1+$0x0] =	vst.idx.msk $0xffff, v9  }
0xe8: {  	v49 =	vadd.s32 s19, v10;
	v46 =	vadd.s32 s19, v12;
	v9 =	vmov s20;
	v50 =	vld.idx.msk [tilespmem:v50+s28+$0x0], $0xffff  }
0xe9: {  	v51 =	vadd.s32 s19, v11;
	v48 =	vand.u32 $0x7F, v48;
	v9 =	vshll.u32 v9, $0x3;
	v52 =	vld.idx.msk [tilespmem:v52+s29+$0x0], $0xffff  }
0xea: {  	v53 =	vand.u32 $0x7F, v49;
	v55 =	vshrl.u32 v46, $0x7;
	v54 =	vand.u32 $0x7F, v51;
	v0 =	vld.idx.msk [tilespmem:v0+s28+$0x0], $0xffff  }
0xeb: {  	v49 =	vshrl.u32 v49, $0x7;
	v51 =	vshrl.u32 v51, $0x7;
	v9 =	vand.u32 $0x3C00, v9;
	v56 =	vld.idx.msk [tilespmem:v47+s28+$0x0], $0xffff  }
0xec: {  	v57 =	vshll.u32 v45, $0x8;
	v58 =	vshll.u32 v43, $0x8;
	v43 =	vmovc v55;
	v47 =	vshll.u32 v44, $0x8;
	v44 =	vmovc v49  }
0xed: {  	v59 =	vshll.u32 v51, $0xA;
	v45 =	vmovc v51;
	v49 =	vshll.u32 v43, $0xA;
	v55 =	vshll.u32 v44, $0xA  }
0xee: {  	v51 =	vor.u32 v19, v57;
	v9 =	vor.u32 v9, v48;
	v48 =	vor.u32 v19, v47  }
0xef: {  	v47 =	vadd.s32 v18, v49;
	vm2 =	veq.s32 v52, $0x1;
	v52 =	vor.u32 v19, v58  }
0xf0: {  	v49 =	vor.u32 v41, v48;
	v48 =	vor.u32 v42, v51;
	v41 =	vmovc v53;
	v57 =	vsel vm2, v24, v25  }
0xf1: {  	v42 =	vmovc v54;
	v51 =	vsel vm2, v20, v21;
	v53 =	vsel vm2, v22, v23;
	v58 =	vsel vm2, v27, v30  }
0xf2: {  	v54 =	vsel vm2, v26, v29;
	v60 =	vsel vm2, v28, v31;
	v57 =	vmul.f32 v57, v56  }
0xf3: {  	v61 =	vsel vm2, v32, v34;
	v51 =	vmul.f32 v51, v50;
	v53 =	vmul.f32 v53, v0  }
0xf4: {  	v62 =	vsel vm2, v33, v35;
	v54 =	vmul.f32 v54, v50;
	v60 =	vmul.f32 v60, v0  }
0xf5: {  	v50 =	vmul.f32 v61, v50;
	v0 =	vmul.f32 v62, v0;
	v51 =	vadd.f32 v53, v51  }
.Ltmp0:
0xf6: {  	v58 =	vmul.f32 v58, v56;
	v53 =	vsel vm2, v40, v36;
	v54 =	vadd.f32 v60, v54;
	(pc) =	sbr.rel @p1 .LBB2_4-.Ltmp0, $4  }
0xf7: {  	v0 =	vadd.f32 v0, v50;
	v56 =	vmul.f32 v53, v56;
	v57 =	vadd.f32 v51, v57  }
0xf8: {  	v50 =	vadd.s32 v18, v55;
	v55 =	vadd.f32 v54, v58;
	v51 =	vor.u32 v8, v52  }
0xf9: {  	v50 =	vor.u32 v41, v50;
	v54 =	vadd.f32 v0, v56;
	v53 =	vadd.f32 v57, v37  }
0xfa: {  	s20 =	sadd.s32 $0x10, s20;
	v52 =	vor.u32 v18, v9;
	v56 =	vadd.s32 v18, v59;
	v55 =	vadd.f32 v55, v38  }
0xfb: {  	_ =	sdelay $0x3  }
0xfc: {  	v8 =	vadd.f32 v54, v39;
	[tilespmem:v49+s1+$0x0] =	vst.idx.msk $0xffff, v53  }
0xfd: {  	[tilespmem:v48+s1+$0x0] =	vst.idx.msk $0xffff, v55  }
0xfe: {  	v58 =	vor.u32 v42, v56;
	[tilespmem:v51+s1+$0x0] =	vst.idx.msk $0xffff, v8  }
0xff: {  	v8 =	vld.idx.msk [tilespmem:v52+s29+$0x0], $0xffff  }
0x100: {  	v0 =	vand.u32 $0x7F, v46  }
0x101: {  	v44 =	vshll.u32 v44, $0x8;
	v9 =	vor.u32 v0, v47  }
0x102: {  	v45 =	vshll.u32 v45, $0x8;
	v43 =	vshll.u32 v43, $0x8;
	s19 =	simm.s32 $0x0;
	v44 =	vor.u32 v19, v44;
	v47 =	vld.idx.msk [tilespmem:v50+s28+$0x0], $0xffff  }
0x103: {  	v45 =	vor.u32 v19, v45;
	v43 =	vor.u32 v19, v43;
	v55 =	vadd.s32 s19, v13;
	v46 =	vld.idx.msk [tilespmem:v58+s28+$0x0], $0xffff  }
0x104: {  	v56 =	vadd.s32 s19, v11;
	v41 =	vor.u32 v41, v44;
	vm2 =	veq.s32 v8, $0x1  }
0x105: {  	v42 =	vor.u32 v42, v45;
	v0 =	vor.u32 v0, v43;
	v8 =	vsel vm2, v24, v25  }
0x106: {  	v9 =	vld.idx.msk [tilespmem:v9+s28+$0x0], $0xffff;
	v59 =	vsel vm2, v20, v21;
	v60 =	vsel vm2, v22, v23;
	v61 =	vsel vm2, v26, v29  }
0x107: {  	v62 =	vsel vm2, v28, v31;
	v63 =	vsel vm2, v32, v34;
	v48 =	vmul.f32 v59, v47  }
0x108: {  	v57 =	vsel vm2, v33, v35;
	v49 =	vmul.f32 v60, v46;
	v50 =	vmul.f32 v61, v47  }
0x109: {  	v58 =	vsel vm2, v27, v30;
	v51 =	vmul.f32 v62, v46;
	v47 =	vmul.f32 v63, v47  }
0x10a: {  	v46 =	vmul.f32 v57, v46;
	v59 =	vsel vm2, v40, v36;
	v62 =	vadd.s32 s19, v10  }
0x10b: {  	v63 =	vadd.s32 s19, v12;
	v57 =	vand.u32 $0x7F, v55;
	v8 =	vmul.f32 v8, v9  }
0x10c: {  	v60 =	vmul.f32 v58, v9;
	v9 =	vmul.f32 v59, v9;
	v52 =	vshrl.u32 v62, $0x7  }
0x10d: {  	v54 =	vand.u32 $0x7F, v63;
	v48 =	vadd.f32 v49, v48;
	v50 =	vadd.f32 v51, v50  }
0x10e: {  	s19 =	simm.s32 $0x30;
	v46 =	vadd.f32 v46, v47;
	v49 =	vand.u32 $0x7F, v62;
	v51 =	vshrl.u32 v63, $0x7  }
0x10f: {  	v47 =	vshrl.u32 v56, $0x7;
	v59 =	vshll.u32 v52, $0xA;
	v63 =	vadd.s32 s19, v10  }
0x110: {  	v52 =	vshll.u32 v52, $0x8;
	v9 =	vadd.f32 v46, v9;
	v46 =	vshll.u32 v55, $0x3  }
0x111: {  	v8 =	vadd.f32 v48, v8;
	v61 =	vadd.f32 v50, v60;
	v58 =	vand.u32 $0x7C00, v46  }
0x112: {  	v50 =	vand.u32 $0x7F, v56;
	v60 =	vshll.u32 v51, $0xA;
	v44 =	vor.u32 v58, v57  }
0x113: {  	v53 =	vadd.s32 v18, v60;
	v8 =	vadd.f32 v8, v37;
	v44 =	vor.u32 v18, v44  }
0x114: {  	v43 =	vadd.f32 v61, v38;
	v9 =	vadd.f32 v9, v39;
	v61 =	vshll.u32 v47, $0xA  }
0x115: {  	v51 =	vshll.u32 v51, $0x8;
	v53 =	vor.u32 v54, v53;
	v62 =	vadd.s32 v18, v61;
	[tilespmem:v41+s1+$0x0] =	vst.idx.msk $0xffff, v8  }
0x116: {  	v46 =	vadd.s32 s19, v12;
	v8 =	vadd.s32 v18, v59;
	v48 =	vor.u32 v50, v62;
	[tilespmem:v42+s1+$0x0] =	vst.idx.msk $0xffff, v43  }
0x117: {  	s20 =	simm.s32 $0x10;
	v51 =	vor.u32 v19, v51;
	v47 =	vshll.u32 v47, $0x8;
	v8 =	vor.u32 v49, v8;
	[tilespmem:v0+s1+$0x0] =	vst.idx.msk $0xffff, v9  }
0x118: {  	v51 =	vor.u32 v54, v51;
	v59 =	vadd.s32 s20, v13;
	v41 =	vand.u32 $0x7F, v63;
	v61 =	vld.idx.msk [tilespmem:v44+s30+$0x0], $0xffff  }
0x119: {  	v62 =	vor.u32 v19, v47;
	v60 =	vshll.u32 v59, $0x3;
	v43 =	vshrl.u32 v46, $0x7  }
0x11a: {  	v0 =	vadd.s32 s19, v11;
	v9 =	vand.u32 $0x7F, v59;
	v58 =	vshll.u32 v43, $0xA;
	v53 =	vld.idx.msk [tilespmem:v53+s30+$0x0], $0xffff  }
0x11b: {  	v42 =	vand.u32 $0x7F, v0;
	v45 =	vshrl.u32 v0, $0x7;
	v0 =	vand.u32 $0x7C00, v60;
	v59 =	vld.idx.msk [tilespmem:v48+s30+$0x0], $0xffff  }
0x11c: {  	v47 =	vadd.s32 v18, v58;
	v44 =	vshrl.u32 v63, $0x7;
	v0 =	vor.u32 v0, v9;
	v8 =	vld.idx.msk [tilespmem:v8+s30+$0x0], $0xffff  }
0x11d: {  	v9 =	vor.u32 v19, v52;
	v55 =	vshll.u32 v44, $0xA;
	vm2 =	veq.s32 v61, $0x1  }
0x11e: {  	v49 =	vor.u32 v49, v9;
	v48 =	vor.u32 v50, v62;
	v52 =	vsel vm2, v24, v25  }
0x11f: {  	v9 =	vsel vm2, v20, v21;
	v50 =	vsel vm2, v22, v23;
	v56 =	vsel vm2, v27, v30  }
0x120: {  	v58 =	vsel vm2, v26, v29;
	v60 =	vsel vm2, v28, v31;
	v52 =	vmul.f32 v52, v53  }
0x121: {  	v61 =	vsel vm2, v32, v34;
	v9 =	vmul.f32 v9, v8;
	v50 =	vmul.f32 v50, v59  }
0x122: {  	v62 =	vsel vm2, v33, v35;
	v58 =	vmul.f32 v58, v8;
	v60 =	vmul.f32 v60, v59  }
0x123: {  	v8 =	vmul.f32 v61, v8;
	v63 =	vmul.f32 v62, v59;
	v9 =	vadd.f32 v50, v9  }
0x124: {  	v61 =	vsel vm2, v40, v36;
	v56 =	vmul.f32 v56, v53;
	v58 =	vadd.f32 v60, v58  }
0x125: {  	v62 =	vmul.f32 v61, v53;
	v8 =	vadd.f32 v63, v8;
	v9 =	vadd.f32 v9, v52  }
0x126: {  	v57 =	vshll.u32 v45, $0xA;
	v63 =	vadd.s32 v18, v55;
	v56 =	vadd.f32 v58, v56  }
0x127: {  	v50 =	vor.u32 v41, v63;
	v54 =	vadd.f32 v8, v62;
	v53 =	vadd.f32 v9, v37  }
0x128: {  	s20 =	simm.s32 $0x20;
	v55 =	vadd.s32 v18, v57;
	v52 =	vor.u32 v18, v0;
	v56 =	vadd.f32 v56, v38  }
.LBB2_6:
0x129: {  	p1 =	sne.s32 s20, $0x240;
	v0 =	vor.u32 v42, v55;
	v8 =	vand.u32 $0x7F, v46;
	v9 =	vadd.f32 v54, v39;
	[tilespmem:v49+s6+$0x0] =	vst.idx.msk $0xffff, v53  }
0x12a: {  	v47 =	vor.u32 v8, v47;
	[tilespmem:v48+s6+$0x0] =	vst.idx.msk $0xffff, v56  }
0x12b: {  	s19 =	sadd.s32 $0x30, s19;
	[tilespmem:v51+s6+$0x0] =	vst.idx.msk $0xffff, v9  }
0x12c: {  	v46 =	vadd.s32 s19, v12;
	v48 =	vadd.s32 s20, v13;
	v9 =	vadd.s32 s19, v10;
	v50 =	vld.idx.msk [tilespmem:v50+s30+$0x0], $0xffff  }
0x12d: {  	v49 =	vadd.s32 s19, v11;
	v51 =	vand.u32 $0x7F, v48;
	v48 =	vshll.u32 v48, $0x3;
	v52 =	vld.idx.msk [tilespmem:v52+s30+$0x0], $0xffff  }
0x12e: {  	v54 =	vand.u32 $0x7F, v49;
	v55 =	vshrl.u32 v46, $0x7;
	v53 =	vand.u32 $0x7F, v9;
	v0 =	vld.idx.msk [tilespmem:v0+s30+$0x0], $0xffff  }
0x12f: {  	v49 =	vshrl.u32 v49, $0x7;
	v9 =	vshrl.u32 v9, $0x7;
	v48 =	vand.u32 $0x7C00, v48;
	v56 =	vld.idx.msk [tilespmem:v47+s30+$0x0], $0xffff  }
0x130: {  	v57 =	vshll.u32 v45, $0x8;
	v58 =	vshll.u32 v43, $0x8;
	v43 =	vmovc v55;
	v47 =	vshll.u32 v44, $0x8;
	v44 =	vmovc v9  }
0x131: {  	v55 =	vshll.u32 v49, $0xA;
	v45 =	vmovc v49;
	v59 =	vshll.u32 v43, $0xA;
	v9 =	vshll.u32 v44, $0xA  }
0x132: {  	v60 =	vor.u32 v48, v51;
	v51 =	vor.u32 v19, v57;
	v48 =	vor.u32 v19, v47  }
0x133: {  	v47 =	vadd.s32 v18, v59;
	vm2 =	veq.s32 v52, $0x1;
	v52 =	vor.u32 v19, v58  }
0x134: {  	v49 =	vor.u32 v41, v48;
	v48 =	vor.u32 v42, v51;
	v41 =	vmovc v53;
	v57 =	vsel vm2, v24, v25  }
0x135: {  	v42 =	vmovc v54;
	v51 =	vsel vm2, v20, v21;
	v53 =	vsel vm2, v22, v23;
	v58 =	vsel vm2, v27, v30  }
0x136: {  	v54 =	vsel vm2, v26, v29;
	v59 =	vsel vm2, v28, v31;
	v57 =	vmul.f32 v57, v56  }
0x137: {  	v61 =	vsel vm2, v32, v34;
	v51 =	vmul.f32 v51, v50;
	v53 =	vmul.f32 v53, v0  }
0x138: {  	v62 =	vsel vm2, v33, v35;
	v54 =	vmul.f32 v54, v50;
	v59 =	vmul.f32 v59, v0  }
0x139: {  	v50 =	vmul.f32 v61, v50;
	v0 =	vmul.f32 v62, v0;
	v51 =	vadd.f32 v53, v51  }
.Ltmp1:
0x13a: {  	v58 =	vmul.f32 v58, v56;
	v53 =	vsel vm2, v40, v36;
	v54 =	vadd.f32 v59, v54;
	(pc) =	sbr.rel @p1 .LBB2_6-.Ltmp1, $4  }
0x13b: {  	v0 =	vadd.f32 v0, v50;
	v56 =	vmul.f32 v53, v56;
	v57 =	vadd.f32 v51, v57  }
0x13c: {  	v9 =	vadd.s32 v18, v9;
	v58 =	vadd.f32 v54, v58;
	v51 =	vor.u32 v8, v52  }
0x13d: {  	v50 =	vor.u32 v41, v9;
	v54 =	vadd.f32 v0, v56;
	v53 =	vadd.f32 v57, v37  }
0x13e: {  	s20 =	sadd.s32 $0x10, s20;
	v55 =	vadd.s32 v18, v55;
	v52 =	vor.u32 v18, v60;
	v56 =	vadd.f32 v58, v38  }
0x13f: {  	_ =	sdelay $0x3  }
0x140: {  	v8 =	vadd.f32 v54, v39;
	[tilespmem:v49+s6+$0x0] =	vst.idx.msk $0xffff, v53  }
0x141: {  	[tilespmem:v48+s6+$0x0] =	vst.idx.msk $0xffff, v56  }
0x142: {  	v55 =	vor.u32 v42, v55;
	[tilespmem:v51+s6+$0x0] =	vst.idx.msk $0xffff, v8  }
0x143: {  	v0 =	vand.u32 $0x7F, v46;
	v8 =	vld.idx.msk [tilespmem:v52+s30+$0x0], $0xffff  }
0x144: {  	v9 =	vor.u32 v0, v47;
	_ =	sdelay $0x1  }
0x145: {  	v44 =	vshll.u32 v44, $0x8;
	v47 =	vld.idx.msk [tilespmem:v50+s30+$0x0], $0xffff  }
0x146: {  	v45 =	vshll.u32 v45, $0x8;
	v43 =	vshll.u32 v43, $0x8;
	v44 =	vor.u32 v19, v44;
	v46 =	vld.idx.msk [tilespmem:v55+s30+$0x0], $0xffff  }
0x147: {  	v45 =	vor.u32 v19, v45;
	v41 =	vor.u32 v41, v44;
	vm2 =	veq.s32 v8, $0x1  }
0x148: {  	v42 =	vor.u32 v42, v45;
	v9 =	vld.idx.msk [tilespmem:v9+s30+$0x0], $0xffff;
	v8 =	vor.u32 v19, v43;
	v56 =	vsel vm2, v24, v25  }
0x149: {  	v57 =	vsel vm2, v20, v21;
	v58 =	vsel vm2, v22, v23;
	v59 =	vsel vm2, v27, v30  }
0x14a: {  	v60 =	vsel vm2, v26, v29;
	v61 =	vsel vm2, v28, v31;
	v44 =	vmul.f32 v57, v47  }
0x14b: {  	v62 =	vsel vm2, v32, v34;
	v45 =	vmul.f32 v58, v46;
	v49 =	vmul.f32 v60, v47  }
0x14c: {  	v63 =	vsel vm2, v33, v35;
	v50 =	vmul.f32 v61, v46;
	v54 =	vmul.f32 v62, v47  }
0x14d: {  	v46 =	vmul.f32 v63, v46;
	v43 =	vmul.f32 v56, v9;
	v44 =	vadd.f32 v45, v44  }
0x14e: {  	v55 =	vsel vm2, v40, v36;
	v48 =	vmul.f32 v59, v9;
	v49 =	vadd.f32 v50, v49  }
0x14f: {  	v60 =	vld [tilespmem:$0x1FFD0];
	v9 =	vmul.f32 v55, v9;
	v56 =	vadd.f32 v46, v54;
	v43 =	vadd.f32 v44, v43  }
0x150: {  	v0 =	vor.u32 v0, v8;
	v57 =	vadd.f32 v49, v48  }
0x151: {  	v58 =	vor.u32 v3, v18;
	v9 =	vadd.f32 v56, v9;
	v8 =	vadd.f32 v43, v37  }
0x152: {  	v59 =	vadd.f32 v57, v38  }
0x153: {  	v9 =	vadd.f32 v9, v39;
	[tilespmem:v41+s6+$0x0] =	vst.idx.msk $0xffff, v8  }
0x154: {  	v45 =	vor.u32 v60, v18;
	[tilespmem:v42+s6+$0x0] =	vst.idx.msk $0xffff, v59  }
0x155: {  	v8 =	vor.u32 v1, v18;
	[tilespmem:v0+s6+$0x0] =	vst.idx.msk $0xffff, v9  }
0x156: {  	v9 =	vld.idx.msk [tilespmem:v58+s30+$0x0], $0xff  }
0x157: {  	v0 =	vor.u32 v2, v18;
	_ =	sdelay $0x1  }
0x158: {  	v41 =	vld.idx.msk [tilespmem:v45+s30+$0x0], $0xff  }
0x159: {  	v8 =	vld.idx.msk [tilespmem:v8+s30+$0x0], $0xff  }
0x15a: {  	vm2 =	veq.s32 v9, $0x1  }
0x15b: {  	v60 =	vor.u32 v4, v19;
	v0 =	vld.idx.msk [tilespmem:v0+s30+$0x0], $0xff;
	v9 =	vsel vm2, v20, v21;
	v61 =	vsel vm2, v22, v23  }
0x15c: {  	v62 =	vsel vm2, v24, v25;
	v63 =	vsel vm2, v26, v29;
	v52 =	vsel vm2, v28, v31  }
0x15d: {  	v53 =	vsel vm2, v27, v30;
	v54 =	vsel vm2, v32, v34;
	v9 =	vmul.f32 v9, v41  }
0x15e: {  	v55 =	vsel vm2, v33, v35;
	v42 =	vmul.f32 v61, v8;
	v44 =	vmul.f32 v63, v41  }
0x15f: {  	v57 =	vsel vm2, v40, v36;
	v45 =	vmul.f32 v52, v8;
	v41 =	vmul.f32 v54, v41  }
0x160: {  	v8 =	vmul.f32 v55, v8;
	v9 =	vadd.f32 v42, v9;
	v56 =	vmul.f32 v62, v0  }
0x161: {  	v61 =	vor.u32 v5, v19;
	v58 =	vadd.f32 v45, v44;
	v59 =	vmul.f32 v53, v0  }
0x162: {  	v8 =	vadd.f32 v8, v41;
	v0 =	vmul.f32 v57, v0;
	v9 =	vadd.f32 v9, v56  }
0x163: {  	v62 =	vor.u32 v6, v19;
	v42 =	vadd.f32 v58, v59  }
0x164: {  	v0 =	vadd.f32 v8, v0;
	v8 =	vor.u32 v14, v18;
	v9 =	vadd.f32 v9, v37  }
0x165: {  	v63 =	vor.u32 v15, v18;
	v42 =	vadd.f32 v42, v38  }
0x166: {  	v0 =	vadd.f32 v0, v39;
	[tilespmem:v60+s6+$0x0] =	vst.idx.msk $0xff, v9  }
0x167: {  	[tilespmem:v61+s6+$0x0] =	vst.idx.msk $0xff, v42  }
0x168: {  	v9 =	vor.u32 v16, v18;
	[tilespmem:v62+s6+$0x0] =	vst.idx.msk $0xff, v0  }
0x169: {  	v0 =	vld.idx.msk [tilespmem:v8+s30+$0x0], $0xffff  }
0x16a: {  	v8 =	vld.idx.msk [tilespmem:v63+s30+$0x0], $0xffff;
	_ =	sdelay $0x1  }
0x16b: {  	v51 =	vsel vm1, v28, v31  }
0x16c: {  	v47 =	vsel vm1, v22, v23;
	v46 =	vsel vm1, v20, v21;
	v50 =	vsel vm1, v26, v29;
	v9 =	vld.idx.msk [tilespmem:v9+s30+$0x0], $0xffff  }
0x16d: {  	v48 =	vsel vm1, v24, v25;
	v52 =	vsel vm1, v27, v30;
	v54 =	vsel vm1, v33, v35  }
0x16e: {  	v55 =	vsel vm1, v40, v36;
	v41 =	vmul.f32 v0, v46;
	v42 =	vmul.f32 v8, v47  }
0x16f: {  	v53 =	vsel vm1, v32, v34;
	v43 =	vmul.f32 v0, v50;
	v44 =	vmul.f32 v8, v51  }
0x170: {  	v57 =	vor.u32 v10, v19;
	v0 =	vmul.f32 v0, v53;
	v8 =	vmul.f32 v8, v54  }
0x171: {  	v59 =	vor.u32 v12, v19;
	v41 =	vadd.f32 v42, v41;
	v49 =	vmul.f32 v9, v48  }
0x172: {  	v43 =	vadd.f32 v44, v43;
	v56 =	vmul.f32 v9, v52;
	v0 =	vadd.f32 v8, v0  }
0x173: {  	v8 =	vmul.f32 v9, v55;
	v9 =	vor.u32 v11, v19;
	v41 =	vadd.f32 v49, v41  }
0x174: {  	v60 =	vadd.s32 $0x4C10, v10;
	v61 =	vadd.s32 $0x4C11, v10;
	v58 =	vadd.f32 v56, v43  }
0x175: {  	v0 =	vadd.f32 v8, v0;
	v8 =	vor.u32 v60, v18;
	v41 =	vadd.f32 v41, v37  }
0x176: {  	v62 =	vadd.s32 $0x4C12, v10;
	v44 =	vor.u32 v61, v18;
	v42 =	vadd.f32 v58, v38  }
0x177: {  	v63 =	vor.u32 v62, v18;
	v0 =	vadd.f32 v0, v39;
	[tilespmem:v57+s11+$0x0] =	vst.idx.msk $0xffff, v41  }
0x178: {  	[tilespmem:v9+s11+$0x0] =	vst.idx.msk $0xffff, v42  }
0x179: {  	[tilespmem:v59+s11+$0x0] =	vst.idx.msk $0xffff, v0  }
0x17a: {  	v0 =	vld.idx.msk [tilespmem:v8+s30+$0x0], $0xffff  }
0x17b: {  	v8 =	vld.idx.msk [tilespmem:v44+s30+$0x0], $0xffff  }
0x17c: {  	v41 =	vld.idx.msk [tilespmem:v63+s30+$0x0], $0xffff;
	_ =	sdelay $0x3  }
0x17d: {  	v44 =	vmul.f32 v0, v20  }
0x17e: {  	v46 =	vmul.f32 v8, v22;
	v47 =	vmul.f32 v41, v24  }
0x17f: {  	v48 =	vmul.f32 v0, v26;
	v49 =	vmul.f32 v8, v28  }
0x180: {  	v0 =	vmul.f32 v0, v32;
	v8 =	vmul.f32 v8, v33;
	v20 =	vadd.f32 v46, v44  }
0x181: {  	v50 =	vmul.f32 v41, v27;
	v22 =	vadd.f32 v49, v48  }
0x182: {  	v0 =	vadd.f32 v8, v0;
	v8 =	vmul.f32 v41, v40;
	v20 =	vadd.f32 v47, v20  }
0x183: {  	v51 =	vor.u32 $0x4C40, v10;
	v52 =	vadd.s32 $0x4C41, v10;
	v22 =	vadd.f32 v50, v22  }
0x184: {  	v0 =	vadd.f32 v8, v0;
	v8 =	vor.u32 v51, v18;
	v20 =	vadd.f32 v20, v37  }
0x185: {  	v24 =	vor.u32 v52, v18;
	v22 =	vadd.f32 v22, v38  }
0x186: {  	v0 =	vadd.f32 v0, v39;
	[tilespmem:v57+s12+$0x0] =	vst.idx.msk $0xffff, v20  }
0x187: {  	v53 =	vadd.s32 $0x4C42, v10;
	[tilespmem:v9+s12+$0x0] =	vst.idx.msk $0xffff, v22  }
0x188: {  	v9 =	vor.u32 v53, v18;
	[tilespmem:v59+s12+$0x0] =	vst.idx.msk $0xffff, v0  }
0x189: {  	v0 =	vld.idx.msk [tilespmem:v8+s30+$0x0], $0xffff  }
0x18a: {  	v8 =	vld.idx.msk [tilespmem:v24+s30+$0x0], $0xffff;
	_ =	sdelay $0x2  }
0x18b: {  	v9 =	vld.idx.msk [tilespmem:v9+s30+$0x0], $0xffff;
	_ =	sdelay $0x1  }
0x18c: {  	v62 =	vadd.s32 $0x31, v10;
	v54 =	vmul.f32 v0, v21;
	v55 =	vmul.f32 v8, v23  }
0x18d: {  	v61 =	vadd.s32 $0x30, v10;
	v57 =	vmul.f32 v0, v29;
	v58 =	vmul.f32 v8, v31  }
0x18e: {  	v63 =	vadd.s32 $0x32, v10;
	v0 =	vmul.f32 v0, v34;
	v8 =	vmul.f32 v8, v35  }
0x18f: {  	v20 =	vadd.f32 v55, v54;
	v59 =	vadd.f32 v58, v57;
	v56 =	vmul.f32 v9, v25  }
0x190: {  	v0 =	vadd.f32 v8, v0;
	v8 =	vor.u32 v61, v19;
	v60 =	vmul.f32 v9, v30  }
0x191: {  	v23 =	vor.u32 v62, v19;
	v9 =	vmul.f32 v9, v36;
	v20 =	vadd.f32 v56, v20  }
0x192: {  	v19 =	vor.u32 v63, v19;
	v21 =	vadd.f32 v60, v59  }
0x193: {  	v0 =	vadd.f32 v9, v0;
	v9 =	vor.u32 $0x4C70, v18;
	v20 =	vadd.f32 v20, v37  }
0x194: {  	v18 =	vadd.f32 v21, v38  }
0x195: {  	v0 =	vadd.f32 v0, v39;
	[tilespmem:v8+s12+$0x0] =	vst.idx.msk $0xffff, v20  }
0x196: {  	[tilespmem:v23+s12+$0x0] =	vst.idx.msk $0xffff, v18  }
0x197: {  	[tilespmem:v19+s12+$0x0] =	vst.idx.msk $0xffff, v0  }
0x198: {  	v0 =	vld.idx.msk [tilespmem:v9+s30+$0x0], $0xffff  }
0x199: {  	s19 =	sshll.u32 s16, $0x7  }
0x19a: {  	s20 =	sadd.s32 s13, s19  }
0x19b: {  	s20 =	sshrl.u32 s20, $0x3  }
0x19c: {  	s17 =	sshll.u32 s17, $0x7;
	s20 =	sadd.s32 s2, s20  }
0x19d: {  	s21 =	simm.s32 $0x80;
	s22 =	sadd.s32 $0x100, s18;
	s23 =	sadd.s32 $0x0, s20;
	[tilespmem:v17+s0+$0x0] =	vst.idx.msk $0x1, v0  }
.LBB2_8:
0x19e: {  	[hbm4b:s23+s3] =	stream.linear.scatter [tilespmem:s18], [sflag:$0x2], $0x80, $0x38;
	[tilespmem:$0x1A200] =	vst v63  }
0x19f: {  	s23 =	smov.u32 s21;
	s18 =	smov.u32 s22;
	p1 =	sne.s32 s21, $0x1780  }
.Ltmp2:
0x1a0: {  	s21 =	sadd.s32 $0x80, s21;
	(pc) =	sbr.rel @p1 .LBB2_8-.Ltmp2, $2  }
0x1a1: {  	_ =	sdelay $0x2  }
0x1a2: {  	s22 =	sadd.s32 $0x100, s22;
	s23 =	sadd.s32 s23, s20  }
0x1a3: {  	[hbm4b:s23+s3] =	stream.linear.scatter [tilespmem:s18], [sflag:$0x2], $0x80, $0x38;
	[tilespmem:$0x1A200] =	vst v63  }
0x1a4: {  	s22 =	sadd.s32 s14, s19  }
0x1a5: {  	s18 =	sshrl.u32 s22, $0x3  }
0x1a6: {  	s20 =	sor.u32 $0x19100, s17;
	s18 =	sadd.s32 s7, s18  }
0x1a7: {  	[hbm4b:s18+s3] =	stream.linear.scatter [tilespmem:s20], [sflag:$0x3], $0x80, $0x38;
	[tilespmem:$0x1A200] =	vst v63  }
0x1a8: {  	s23 =	sor.u32 $0x19200, s17;
	s21 =	sadd.s32 $0x80, s18  }
0x1a9: {  	[hbm4b:s21+s3] =	stream.linear.scatter [tilespmem:s23], [sflag:$0x3], $0x80, $0x38;
	[tilespmem:$0x1A200] =	vst v63  }
0x1aa: {  	s22 =	sor.u32 $0x19300, s17;
	s23 =	sadd.s32 $0x100, s18  }
0x1ab: {  	[hbm4b:s23+s3] =	stream.linear.scatter [tilespmem:s22], [sflag:$0x3], $0x80, $0x38;
	[tilespmem:$0x1A200] =	vst v63  }
0x1ac: {  	s22 =	sor.u32 $0x19400, s17;
	s23 =	sadd.s32 $0x180, s18  }
0x1ad: {  	[hbm4b:s23+s3] =	stream.linear.scatter [tilespmem:s22], [sflag:$0x3], $0x80, $0x38;
	[tilespmem:$0x1A200] =	vst v63  }
0x1ae: {  	s22 =	sor.u32 $0x19500, s17;
	s23 =	sadd.s32 $0x200, s18  }
0x1af: {  	[hbm4b:s23+s3] =	stream.linear.scatter [tilespmem:s22], [sflag:$0x3], $0x80, $0x38;
	[tilespmem:$0x1A200] =	vst v63  }
0x1b0: {  	s22 =	sor.u32 $0x19600, s17;
	s23 =	sadd.s32 $0x280, s18  }
0x1b1: {  	[hbm4b:s23+s3] =	stream.linear.scatter [tilespmem:s22], [sflag:$0x3], $0x80, $0x38;
	[tilespmem:$0x1A200] =	vst v63  }
0x1b2: {  	s22 =	sor.u32 $0x19700, s17;
	s23 =	sadd.s32 $0x300, s18  }
0x1b3: {  	[hbm4b:s23+s3] =	stream.linear.scatter [tilespmem:s22], [sflag:$0x3], $0x80, $0x38;
	[tilespmem:$0x1A200] =	vst v63  }
0x1b4: {  	s22 =	sor.u32 $0x19800, s17;
	s23 =	sadd.s32 $0x380, s18  }
0x1b5: {  	[hbm4b:s23+s3] =	stream.linear.scatter [tilespmem:s22], [sflag:$0x3], $0x80, $0x38;
	[tilespmem:$0x1A200] =	vst v63  }
0x1b6: {  	s22 =	sor.u32 $0x19900, s17;
	s23 =	sadd.s32 $0x400, s18  }
0x1b7: {  	[hbm4b:s23+s3] =	stream.linear.scatter [tilespmem:s22], [sflag:$0x3], $0x80, $0x38;
	[tilespmem:$0x1A200] =	vst v63  }
0x1b8: {  	s22 =	sor.u32 $0x19A00, s17;
	s23 =	sadd.s32 $0x480, s18  }
0x1b9: {  	[hbm4b:s23+s3] =	stream.linear.scatter [tilespmem:s22], [sflag:$0x3], $0x80, $0x38;
	[tilespmem:$0x1A200] =	vst v63  }
0x1ba: {  	s22 =	sor.u32 $0x19B00, s17;
	s23 =	sadd.s32 $0x500, s18  }
0x1bb: {  	[hbm4b:s23+s3] =	stream.linear.scatter [tilespmem:s22], [sflag:$0x3], $0x80, $0x38;
	[tilespmem:$0x1A200] =	vst v63  }
0x1bc: {  	s22 =	sor.u32 $0x19C00, s17;
	s23 =	sadd.s32 $0x580, s18  }
0x1bd: {  	[hbm4b:s23+s3] =	stream.linear.scatter [tilespmem:s22], [sflag:$0x3], $0x80, $0x38;
	[tilespmem:$0x1A200] =	vst v63  }
0x1be: {  	s16 =	sadd.s32 $0x1, s16;
	s22 =	sor.u32 $0x19D00, s17;
	s23 =	sadd.s32 $0x600, s18  }
0x1bf: {  	[hbm4b:s23+s3] =	stream.linear.scatter [tilespmem:s22], [sflag:$0x3], $0x80, $0x38;
	[tilespmem:$0x1A200] =	vst v63  }
0x1c0: {  	p1 =	sne.s32 s16, $0x8;
	s21 =	sor.u32 $0x19E00, s17;
	s22 =	sadd.s32 $0x680, s18  }
0x1c1: {  	[hbm4b:s22+s3] =	stream.linear.scatter [tilespmem:s21], [sflag:$0x3], $0x80, $0x38;
	[tilespmem:$0x1A200] =	vst v63  }
0x1c2: {  	s20 =	sadd.s32 s15, s19;
	s23 =	sor.u32 $0x19F00, s17;
	s18 =	sadd.s32 $0x700, s18  }
0x1c3: {  	[hbm4b:s18+s3] =	stream.linear.scatter [tilespmem:s23], [sflag:$0x3], $0x80, $0x38;
	[tilespmem:$0x1A200] =	vst v63  }
.Ltmp3:
0x1c4: {  	s18 =	sshrl.u32 s20, $0x3;
	(pc) =	sbr.rel @p1 .LBB2_3-.Ltmp3, $4  }
0x1c5: {  	s21 =	sor.u32 $0x1A000, s17;
	s22 =	sadd.s32 s8, s18  }
0x1c6: {  	[hbm4b:s22+s3] =	stream.linear.scatter [tilespmem:s21], [sflag:$0x4], $0x80, $0x38;
	[tilespmem:$0x1A200] =	vst v63  }
0x1c7: {  	p0 =	por !p0, !p0;
	s23 =	sor.u32 $0x1A100, s17;
	s18 =	sadd.s32 s9, s18  }
0x1c8: {  	[hbm4b:s18+s3] =	stream.linear.scatter [tilespmem:s23], [sflag:$0x5], $0x80, $0x38;
	[tilespmem:$0x1A200] =	vst v63  }
0x1c9: {  	s4 =	sadd.s32 $0x1, s4  }
0x1ca: {  	p0 =	sne.s32 s4, $0x4  }
.Ltmp4:
0x1cb: {  	_ = 	snop;
	(pc) =	sbr.rel @p0 .LBB2_2-.Ltmp4, $1  }
0x1cc: {  	_ =	sdelay $0x3  }
0x1cd: {  	s4 =	simm.s32 $0x2  }
0x1ce: {  	_ =	swait.ge [sflag:s4], $0x1800  }
0x1cf: {  	[sflag:s4] =	ssyncset.done $0x0  }
0x1d0: {  	s5 =	simm.s32 $0x3;
	[sflag:s4] =	ssyncadd.s32 $0xFFFFE800  }
0x1d1: {  	_ =	swait.ge [sflag:s5], $0x780  }
0x1d2: {  	[sflag:s5] =	ssyncset.done $0x0  }
0x1d3: {  	s10 =	simm.s32 $0x4;
	[sflag:s5] =	ssyncadd.s32 $0xFFFFF880  }
0x1d4: {  	_ =	swait.ge [sflag:s10], $0x80  }
0x1d5: {  	[sflag:s10] =	ssyncset.done $0x0  }
0x1d6: {  	s13 =	simm.s32 $0x5;
	[sflag:s10] =	ssyncadd.s32 $0xFFFFFF80  }
0x1d7: {  	_ =	swait.ge [sflag:s13], $0x80  }
0x1d8: {  	[sflag:s13] =	ssyncset.done $0x0  }
0x1d9: {  	[sflag:s13] =	ssyncadd.s32 $0xFFFFFF80  }
0x1da: {  	_ =	swait.ge [sflag:s4], $0x1800  }
0x1db: {  	[sflag:s4] =	ssyncset.done $0x0  }
0x1dc: {  	[sflag:s4] =	ssyncadd.s32 $0xFFFFE800  }
0x1dd: {  	_ =	swait.ge [sflag:s5], $0x780  }
0x1de: {  	[sflag:s5] =	ssyncset.done $0x0  }
0x1df: {  	[sflag:s5] =	ssyncadd.s32 $0xFFFFF880  }
0x1e0: {  	_ =	swait.ge [sflag:s10], $0x80  }
0x1e1: {  	[sflag:s10] =	ssyncset.done $0x0  }
0x1e2: {  	[sflag:s10] =	ssyncadd.s32 $0xFFFFFF80  }
0x1e3: {  	_ =	swait.ge [sflag:s13], $0x80  }
0x1e4: {  	s21 =	sld [smem:$0x7F7]  }
0x1e5: {  	[sflag:s13] =	ssyncset.done $0x0  }
0x1e6: {  	s5 =	simm.s32 $0x6;
	[sflag:s13] =	ssyncadd.s32 $0xFFFFFF80  }
0x1e7: {  	[hbm4b:s21+s3] =	stream.linear.scatter [tilespmem:s0], [sflag:$0x6], $0x20, $0x38;
	[tilespmem:$0x1A200] =	vst v63  }
0x1e8: {  	_ =	swait.ge [sflag:s5], $0x20  }
0x1e9: {  	s22 =	sld [smem:$0x7EA]  }
0x1ea: {  	s23 =	sld [smem:$0x7F8];
	_ =	sdelay $0x1  }
0x1eb: {  	s10 =	sadd.s32 $0x1, s22  }
0x1ec: {  	p0 =	sne.s32 s10, s23  }
.Ltmp5:
0x1ed: {  	_ = 	snop;
	(pc) =	sbr.rel @p0 .LBB2_1-.Ltmp5, $3  }
0x1ee: {  	_ =	sdelay $0x1  }
0x1ef: {  	[sflag:s5] =	ssyncset.done $0x0  }
0x1f0: {  	[sflag:s5] =	ssyncadd.s32 $0xFFFFFFE0  }
0x1f1: {  	_ =	sfence.sel $0x180000  }
0x1f2: {  	[bflag:$0x0] =	sbarrier.arrive $0xFFFF  }
0x1f3: {  	_ =	strace $0x90000047  }
0x1f4: {  	s0 =	stileid.u32;
	[bflag:$0x2] =	sbarrier.arrive $0xFFFF  }
0x1f5: {  	p0 =	sne.s32 s0, $0x0;
	s0 =	rddreg [dreg:$0x6]  }
0x1f6: {  	s0 =	sadd.s32 @!p0 $0x100000, s0  }
0x1f7: {  	[sflag:s0] =	ssyncadd.tile.s32 @!p0 $0x1;
	_ =	shalt  }
.Lfunc_end2:
_tile_overlayer_lowered:
.L_overlay_start_2:
0x1f8: {  	(tag) =	ssettag $0x2  }
0x1f9: {  	s0 =	rddreg [dreg:$0x0];
	s2 =	stileid.u32  }
0x1fa: {  	s1 =	rddreg [dreg:$0x1];
	p0 =	sne.s32 s2, $0x0  }
0x1fb: {  	s3 =	rddreg [dreg:$0x2];
	[bflag:$0x3] =	sbarrier.arrive $0xFFFF;
	s2 =	simm.s32 @!p0 $0x1C06  }
0x1fc: {  	[timem:s3], [sflag:s2] =	dma.local @!p0 [hbm:s0], s1  }
0x1fd: {  	s0 =	simm.s32 @!p0 $0x6  }
0x1fe: {  	_ =	swait.ge @!p0 [sflag:s0], s1  }
0x1ff: {  	s1 =	ssub.s32 @!p0 $0x0, s1;
	[sflag:s0] =	ssyncset.done @!p0 $0x0  }
0x200: {  	[sflag:s0] =	ssyncadd.s32 @!p0 s1  }
0x201: {  	[bflag:$0x3] =	sbarrier.arrive $0xFFFF  }
0x202: {  	_ =	shalt  }

</sc_bundles>
